<compile_context>
chip_gen: v7x
topology: tpu7x:2x2x1
jax: 0.10.2.dev20260603
libtpu: 0.0.44.dev20260713+nightly
codegen_flags: <defaults>
</compile_context>

<pallas_src>
import math

import jax
import jax.numpy as jnp
from jax import lax
from jax.experimental import pallas as pl
from jax.experimental.pallas import tpu as pltpu
from jax.experimental.pallas import tpu_sc as plsc

N = 1024
E = 2048
M = 2048
IN_CH = 256
HC = 512
H = 8
D = HC // H
S = 8
SCALE = 1.0 / math.sqrt(D)

NC = 1
NS = 16
L = 16
NW = NC * NS
EPW = E // NW

HPB = 4
BW = HPB * D
NSTEP = H // HPB
NCH = 1
NB = N // NCH


def _sc_gather_body(k_hbm, v_hbm, ai_hbm, mi_hbm, env_hbm, bias_hbm,
                    ke_hbm, ve_hbm, enve_hbm, biase_hbm,
                    ai_v, mi_v, krows, vrows, env_o, bias_o,
                    sem_k, sem_v, sem_e, sem_b):
    wid = lax.axis_index("s") * NC + lax.axis_index("c")
    base = wid * EPW
    pltpu.sync_copy(ai_hbm.at[pl.ds(base, EPW)], ai_v)
    pltpu.sync_copy(mi_hbm.at[pl.ds(base, EPW)], mi_v)
    cp_k = pltpu.async_copy(k_hbm.at[ai_v], krows, sem_k)
    cp_v = pltpu.async_copy(v_hbm.at[ai_v], vrows, sem_v)
    cp_e = pltpu.async_copy(env_hbm.at[mi_v], env_o, sem_e)
    cp_b = pltpu.async_copy(bias_hbm.at[mi_v], bias_o, sem_b)
    cp_e.wait()
    cp_b.wait()
    pltpu.sync_copy(env_o, enve_hbm.at[pl.ds(base, EPW)])
    pltpu.sync_copy(bias_o, biase_hbm.at[pl.ds(base, EPW)])
    cp_k.wait()
    cp_v.wait()
    pltpu.sync_copy(krows, ke_hbm.at[pl.ds(base, EPW)])
    pltpu.sync_copy(vrows, ve_hbm.at[pl.ds(base, EPW)])


def _sc_gather(k, v, atom_index, edge_map_tab, envelope, attn_bias_flat):
    fn = pl.kernel(
        _sc_gather_body,
        out_type=[
            jax.ShapeDtypeStruct((E, IN_CH), jnp.float32),
            jax.ShapeDtypeStruct((E, IN_CH), jnp.float32),
            jax.ShapeDtypeStruct((E,), jnp.float32),
            jax.ShapeDtypeStruct((E,), jnp.float32),
        ],
        mesh=plsc.VectorSubcoreMesh(core_axis_name="c", subcore_axis_name="s", num_cores=1),
        scratch_types=[
            pltpu.VMEM((EPW,), jnp.int32),
            pltpu.VMEM((EPW,), jnp.int32),
            pltpu.VMEM((EPW, IN_CH), jnp.float32),
            pltpu.VMEM((EPW, IN_CH), jnp.float32),
            pltpu.VMEM((EPW,), jnp.float32),
            pltpu.VMEM((EPW,), jnp.float32),
            pltpu.SemaphoreType.DMA,
            pltpu.SemaphoreType.DMA,
            pltpu.SemaphoreType.DMA,
            pltpu.SemaphoreType.DMA,
        ],
    )
    return fn(k, v, atom_index, edge_map_tab, envelope, attn_bias_flat)


def _attn_body(q_ref, ke_ref, ve_ref, wq_ref, bq_ref, wk_ref, bk_ref,
               wv_ref, bv_ref, bias_ref, env_ref, seg_ref,
               lnw_ref, lnb_ref, wp_ref, bp_ref, o_ref, acc_ref):
    hh = pl.program_id(1)
    q2p = (jnp.dot(q_ref[...], wq_ref[...],
                   preferred_element_type=jnp.float32) + bq_ref[...]) * SCALE
    kep = jnp.dot(ke_ref[...], wk_ref[...],
                  preferred_element_type=jnp.float32) + bk_ref[...]
    vep = jnp.dot(ve_ref[...], wv_ref[...],
                  preferred_element_type=jnp.float32) + bv_ref[...]
    bias = bias_ref[...]
    env = env_ref[...]
    ohb = lax.broadcasted_iota(jnp.int32, (S, E), 0) == seg_ref[...]
    zs = jnp.zeros((S, E), dtype=jnp.float32)
    ohT_env = jnp.where(ohb, env, zs).astype(jnp.bfloat16)
    ohT_env2 = jnp.where(ohb, env * env, zs).astype(jnp.bfloat16)
    q2b = q2p.astype(jnp.bfloat16)
    keb = kep.astype(jnp.bfloat16)
    veb = vep.astype(jnp.bfloat16)
    lane_head = lax.broadcasted_iota(jnp.int32, (1, BW), 1) // D
    masks = [(lane_head == j).astype(jnp.bfloat16) for j in range(HPB)]
    ts = []
    for j in range(HPB):
        aw = lax.dot_general(q2b, keb * masks[j], (((1,), (1,)), ((), ())),
                             preferred_element_type=jnp.float32)
        ts.append(jnp.exp(aw + bias).astype(jnp.bfloat16))
    acc = None
    for j in range(HPB):
        t = ts[j]
        seg_sum = lax.dot_general(t, ohT_env, (((1,), (1,)), ((), ())),
                                  preferred_element_type=jnp.float32)
        recip = (1.0 / (seg_sum + 1e-16)).astype(jnp.bfloat16)
        r2 = jnp.dot(recip, ohT_env2,
                     preferred_element_type=jnp.float32)
        attn = t * r2.astype(jnp.bfloat16)
        oj = lax.dot_general(attn, veb * masks[j], (((1,), (0,)), ((), ())),
                             preferred_element_type=jnp.float32)
        acc = oj if acc is None else acc + oj
    for jj in range(NSTEP):
        @pl.when(hh == jj)
        def _(acc=acc, jj=jj):
            acc_ref[:, jj * BW:(jj + 1) * BW] = acc

    @pl.when(hh == NSTEP - 1)
    def _():
        x = acc_ref[...]
        mu = jnp.mean(x, axis=1, keepdims=True)
        xc = x - mu
        var = jnp.mean(xc * xc, axis=1, keepdims=True)
        y = xc * lax.rsqrt(var + 1e-07) * lnw_ref[...] + lnb_ref[...]
        o_ref[...] = (jnp.dot(y, wp_ref[...],
                              preferred_element_type=jnp.float32) + bp_ref[...])


def _attention(q, k_e, v_e, Wq, bq, Wk, bk, Wv, bv, bias_e, env_e, seg_row,
               ln_w, ln_b, Wp, bp):
    full = lambda nc, h: (0, 0)
    head = lambda nc, h: (0, h)
    nrow = lambda nc, h: (nc, 0)
    return pl.pallas_call(
        _attn_body,
        grid=(NCH, NSTEP),
        in_specs=[
            pl.BlockSpec((NB, IN_CH), nrow),
            pl.BlockSpec((E, IN_CH), full),
            pl.BlockSpec((E, IN_CH), full),
            pl.BlockSpec((IN_CH, BW), head),
            pl.BlockSpec((1, BW), head),
            pl.BlockSpec((IN_CH, BW), head),
            pl.BlockSpec((1, BW), head),
            pl.BlockSpec((IN_CH, BW), head),
            pl.BlockSpec((1, BW), head),
            pl.BlockSpec((1, E), full),
            pl.BlockSpec((1, E), full),
            pl.BlockSpec((1, E), full),
            pl.BlockSpec((1, HC), full),
            pl.BlockSpec((1, HC), full),
            pl.BlockSpec((HC, IN_CH), full),
            pl.BlockSpec((1, IN_CH), full),
        ],
        out_specs=pl.BlockSpec((NB, IN_CH), nrow),
        out_shape=jax.ShapeDtypeStruct((N, IN_CH), jnp.float32),
        scratch_shapes=[pltpu.VMEM((NB, HC), jnp.float32)],
        compiler_params=pltpu.CompilerParams(
            vmem_limit_bytes=110 * 1024 * 1024),
    )(q, k_e, v_e, Wq, bq, Wk, bk, Wv, bv, bias_e, env_e, seg_row,
      ln_w, ln_b, Wp, bp)


def kernel(q, k, v, envelope, attn_bias, atom_index, batch_index,
           edge_map_tab, Wq, bq, Wk, bk, Wv, bv, ln_w, ln_b, Wp, bp):
    k_e, v_e, env_e, bias_e = _sc_gather(
        k, v, atom_index.astype(jnp.int32), edge_map_tab.astype(jnp.int32),
        envelope, attn_bias.reshape(M))
    return _attention(
        q, k_e, v_e, Wq, bq.reshape(1, HC), Wk, bk.reshape(1, HC),
        Wv, bv.reshape(1, HC), bias_e.reshape(1, E), env_e.reshape(1, E),
        batch_index.astype(jnp.int32).reshape(1, E),
        ln_w.reshape(1, HC), ln_b.reshape(1, HC), Wp, bp.reshape(1, IN_CH))

# --- scband reference (transcript-rebuilt; emitter-appended) ---
"""Pipeline reference for scband-inv-attention-11948599018112 (READ-ONLY COPY).

The authoritative reference and input builder live on the scoring server;
editing this copy changes nothing except your own understanding.
"""

import jax, jax.numpy as jnp
import numpy as np
import math

N = 1024
E = 2048
M = 2048
IN_CH = 256
HC = 512
H = 8
D = HC // H
S = 8


def setup_inputs():
    ks = jax.random.split(jax.random.key(0), 16)
    inp = {}
    inp['q'] = jax.random.normal(ks[0], (N, IN_CH), dtype=jnp.float32)
    inp['k'] = jax.random.normal(ks[1], (N, IN_CH), dtype=jnp.float32)
    inp['v'] = jax.random.normal(ks[2], (N, IN_CH), dtype=jnp.float32)
    inp['envelope'] = jax.random.uniform(ks[3], (M,), dtype=jnp.float32)
    inp['attn_bias'] = jax.random.normal(ks[4], (1, M), dtype=jnp.float32) * 0.1
    inp['atom_index'] = jax.random.randint(ks[5], (E,), 0, N)
    inp['batch_index'] = jnp.sort(jax.random.randint(ks[6], (E,), 0, S))
    inp['edge_map_tab'] = jax.random.randint(ks[7], (E,), 0, M)
    sc = 1.0 / math.sqrt(IN_CH)
    inp['Wq'] = jax.random.normal(ks[8], (IN_CH, HC), dtype=jnp.float32) * sc
    inp['bq'] = jnp.zeros((HC,), dtype=jnp.float32)
    inp['Wk'] = jax.random.normal(ks[9], (IN_CH, HC), dtype=jnp.float32) * sc
    inp['bk'] = jnp.zeros((HC,), dtype=jnp.float32)
    inp['Wv'] = jax.random.normal(ks[10], (IN_CH, HC), dtype=jnp.float32) * sc
    inp['bv'] = jnp.zeros((HC,), dtype=jnp.float32)
    inp['ln_w'] = jnp.ones((HC,), dtype=jnp.float32)
    inp['ln_b'] = jnp.zeros((HC,), dtype=jnp.float32)
    inp['Wp'] = jax.random.normal(ks[11], (HC, IN_CH), dtype=jnp.float32) / math.sqrt(HC)
    inp['bp'] = jnp.zeros((IN_CH,), dtype=jnp.float32)
    return inp


def _forward(q, k, v, envelope, attn_bias, Wq, bq, Wk, bk, Wv, bv, ln_w, ln_b, Wp, bp, atom_index, batch_index, edge_map_tab):
    n = q.shape[0]
    q2 = q @ Wq + bq
    k2 = k @ Wk + bk
    v2 = v @ Wv + bv
    k_e = jnp.take(k2, atom_index, axis=0)
    v_e = jnp.take(v2, atom_index, axis=0)
    qh = jnp.transpose(q2.reshape(n, H, D), (1, 0, 2))
    kh = jnp.transpose(k_e.reshape(-1, H, D), (1, 2, 0))
    vh = jnp.transpose(v_e.reshape(-1, H, D), (1, 0, 2))
    aw = jnp.matmul(qh * (math.sqrt(D) / D), kh)
    aw = aw + attn_bias[:, edge_map_tab]
    env_e = jnp.take(envelope, edge_map_tab, axis=0)
    awT = jnp.transpose(aw, (2, 0, 1))
    seg_max = jax.ops.segment_max(awT, batch_index, num_segments=S)
    seg_max = jax.lax.stop_gradient(seg_max)
    recentered = awT - jnp.take(seg_max, batch_index, axis=0)
    ex = jnp.exp(recentered) * env_e[:, None, None]
    seg_sum = jax.ops.segment_sum(ex, batch_index, num_segments=S)
    attn = ex / (jnp.take(seg_sum, batch_index, axis=0) + 1e-16)
    attn = attn * env_e[:, None, None]
    attn = jnp.transpose(attn, (1, 2, 0))
    out = jnp.matmul(attn, vh)
    out = jnp.transpose(out, (1, 0, 2)).reshape(n, HC)
    mu = out.mean(axis=-1, keepdims=True)
    var = out.var(axis=-1, keepdims=True)
    out = (out - mu) / jnp.sqrt(var + 1e-07) * ln_w + ln_b
    out = out @ Wp + bp
    return out


def reference(q, k, v, envelope, attn_bias, atom_index, batch_index, edge_map_tab, Wq, bq, Wk, bk, Wv, bv, ln_w, ln_b, Wp, bp):
    return _forward(q, k, v, envelope, attn_bias, Wq, bq, Wk, bk, Wv, bv, ln_w, ln_b, Wp, bp, atom_index, batch_index, edge_map_tab)

if __name__ == "__main__":
    import jax
    _d = setup_inputs()
    print(jax.jit(kernel)(*tuple(_d.values())))

</pallas_src>

<mosaic_0001>
#map = affine_map<(d0, d1) -> (0, 0)>
#map1 = affine_map<(d0, d1) -> (0)>
module attributes {stable_mosaic.version = 14 : i64} {
  func.func @_sc_gather_body(%arg0: i32, %arg1: i32, %arg2: memref<1024x256xf32, #tpu.memory_space<hbm>>, %arg3: memref<1024x256xf32, #tpu.memory_space<hbm>>, %arg4: memref<2048xi32, #tpu.memory_space<hbm>>, %arg5: memref<2048xi32, #tpu.memory_space<hbm>>, %arg6: memref<2048xf32, #tpu.memory_space<hbm>>, %arg7: memref<2048xf32, #tpu.memory_space<hbm>>, %arg8: memref<2048x256xf32, #tpu.memory_space<hbm>>, %arg9: memref<2048x256xf32, #tpu.memory_space<hbm>>, %arg10: memref<2048xf32, #tpu.memory_space<hbm>>, %arg11: memref<2048xf32, #tpu.memory_space<hbm>>, %arg12: memref<128xi32, #tpu.memory_space<vmem>>, %arg13: memref<128xi32, #tpu.memory_space<vmem>>, %arg14: memref<128x256xf32, #tpu.memory_space<vmem>>, %arg15: memref<128x256xf32, #tpu.memory_space<vmem>>, %arg16: memref<128xf32, #tpu.memory_space<vmem>>, %arg17: memref<128xf32, #tpu.memory_space<vmem>>, %arg18: memref<!tpu.dma_semaphore, #tpu.memory_space<semaphore_mem>>, %arg19: memref<!tpu.dma_semaphore, #tpu.memory_space<semaphore_mem>>, %arg20: memref<!tpu.dma_semaphore, #tpu.memory_space<semaphore_mem>>, %arg21: memref<!tpu.dma_semaphore, #tpu.memory_space<semaphore_mem>>) attributes {dimension_semantics = [#tpu.dimension_semantics<core_parallel>, #tpu.dimension_semantics<subcore_parallel>], iteration_bounds = array<i64: 1, 16>, scalar_prefetch = 0 : i64, scratch_operands = 10 : i64, tpu.core_type = #tpu.core_type<sc_vector_subcore>, window_params = [{transform_indices = #map}, {transform_indices = #map}, {transform_indices = #map1}, {transform_indices = #map1}, {transform_indices = #map1}, {transform_indices = #map1}, {transform_indices = #map}, {transform_indices = #map}, {transform_indices = #map1}, {transform_indices = #map1}]} {
    %mul3A = arith.constant 1 : i32
    %mul3A_0 = arith.muli %arg1, %mul3A : i32
    %add3A = arith.addi %mul3A_0, %arg0 : i32
    %mul3A_1 = arith.constant 128 : i32
    %mul3A_2 = arith.muli %add3A, %mul3A_1 : i32
    "tpu.region"() ({
      %run_scoped3A = tpu.sem_alloc : memref<!tpu.dma_semaphore, #tpu.memory_space<semaphore_mem>>
      %dma_start3A_21 = tpu.memref_slice %arg4[%mul3A_2] : memref<2048xi32, #tpu.memory_space<hbm>> -> memref<128xi32, #tpu.memory_space<hbm>>
      %dma_start3A_22 = tpu.memref_slice %arg4[%mul3A_2] : memref<2048xi32, #tpu.memory_space<hbm>> -> memref<128xi32, #tpu.memory_space<hbm>>
      tpu.enqueue_dma source(%dma_start3A_22 : memref<128xi32, #tpu.memory_space<hbm>>) target(%arg12 : memref<128xi32, #tpu.memory_space<vmem>>) target_semaphore(%run_scoped3A : memref<!tpu.dma_semaphore, #tpu.memory_space<semaphore_mem>>)
      %dma_wait3A_23 = tpu.memref_slice %arg4[%mul3A_2] : memref<2048xi32, #tpu.memory_space<hbm>> -> memref<128xi32, #tpu.memory_space<hbm>>
      %dma_wait3A_24 = tpu.memref_slice %arg4[%mul3A_2] : memref<2048xi32, #tpu.memory_space<hbm>> -> memref<128xi32, #tpu.memory_space<hbm>>
      tpu.wait_dma2 semaphore(%run_scoped3A : memref<!tpu.dma_semaphore, #tpu.memory_space<semaphore_mem>>) src(%dma_wait3A_24 : memref<128xi32, #tpu.memory_space<hbm>>) dst(%arg12 : memref<128xi32, #tpu.memory_space<vmem>>)
      tpu.yield
    }) : () -> ()
    "tpu.region"() ({
      %run_scoped3A = tpu.sem_alloc : memref<!tpu.dma_semaphore, #tpu.memory_space<semaphore_mem>>
      %dma_start3A_21 = tpu.memref_slice %arg5[%mul3A_2] : memref<2048xi32, #tpu.memory_space<hbm>> -> memref<128xi32, #tpu.memory_space<hbm>>
      %dma_start3A_22 = tpu.memref_slice %arg5[%mul3A_2] : memref<2048xi32, #tpu.memory_space<hbm>> -> memref<128xi32, #tpu.memory_space<hbm>>
      tpu.enqueue_dma source(%dma_start3A_22 : memref<128xi32, #tpu.memory_space<hbm>>) target(%arg13 : memref<128xi32, #tpu.memory_space<vmem>>) target_semaphore(%run_scoped3A : memref<!tpu.dma_semaphore, #tpu.memory_space<semaphore_mem>>)
      %dma_wait3A_23 = tpu.memref_slice %arg5[%mul3A_2] : memref<2048xi32, #tpu.memory_space<hbm>> -> memref<128xi32, #tpu.memory_space<hbm>>
      %dma_wait3A_24 = tpu.memref_slice %arg5[%mul3A_2] : memref<2048xi32, #tpu.memory_space<hbm>> -> memref<128xi32, #tpu.memory_space<hbm>>
      tpu.wait_dma2 semaphore(%run_scoped3A : memref<!tpu.dma_semaphore, #tpu.memory_space<semaphore_mem>>) src(%dma_wait3A_24 : memref<128xi32, #tpu.memory_space<hbm>>) dst(%arg13 : memref<128xi32, #tpu.memory_space<vmem>>)
      tpu.yield
    }) : () -> ()
    %dma_start3A = arith.constant 0 : i32
    %dma_start3A_3 = arith.constant 0 : i32
    %dma_start3A_4 = tpu.memref_slice %arg2[%dma_start3A, %dma_start3A_3] : memref<1024x256xf32, #tpu.memory_space<hbm>> -> memref<1024x256xf32, #tpu.memory_space<hbm>>
    tpu.enqueue_indirect_dma source(%dma_start3A_4 : memref<1024x256xf32, #tpu.memory_space<hbm>>) target(%arg14 : memref<128x256xf32, #tpu.memory_space<vmem>>) offsets(%arg12 : memref<128xi32, #tpu.memory_space<vmem>>) semaphore(%arg18 : memref<!tpu.dma_semaphore, #tpu.memory_space<semaphore_mem>>)
    %dma_start3A_5 = arith.constant 0 : i32
    %dma_start3A_6 = arith.constant 0 : i32
    %dma_start3A_7 = tpu.memref_slice %arg3[%dma_start3A_5, %dma_start3A_6] : memref<1024x256xf32, #tpu.memory_space<hbm>> -> memref<1024x256xf32, #tpu.memory_space<hbm>>
    tpu.enqueue_indirect_dma source(%dma_start3A_7 : memref<1024x256xf32, #tpu.memory_space<hbm>>) target(%arg15 : memref<128x256xf32, #tpu.memory_space<vmem>>) offsets(%arg12 : memref<128xi32, #tpu.memory_space<vmem>>) semaphore(%arg19 : memref<!tpu.dma_semaphore, #tpu.memory_space<semaphore_mem>>)
    %dma_start3A_8 = arith.constant 0 : i32
    %dma_start3A_9 = tpu.memref_slice %arg6[%dma_start3A_8] : memref<2048xf32, #tpu.memory_space<hbm>> -> memref<2048xf32, #tpu.memory_space<hbm>>
    tpu.enqueue_indirect_dma source(%dma_start3A_9 : memref<2048xf32, #tpu.memory_space<hbm>>) target(%arg16 : memref<128xf32, #tpu.memory_space<vmem>>) offsets(%arg13 : memref<128xi32, #tpu.memory_space<vmem>>) semaphore(%arg20 : memref<!tpu.dma_semaphore, #tpu.memory_space<semaphore_mem>>)
    %dma_start3A_10 = arith.constant 0 : i32
    %dma_start3A_11 = tpu.memref_slice %arg7[%dma_start3A_10] : memref<2048xf32, #tpu.memory_space<hbm>> -> memref<2048xf32, #tpu.memory_space<hbm>>
    tpu.enqueue_indirect_dma source(%dma_start3A_11 : memref<2048xf32, #tpu.memory_space<hbm>>) target(%arg17 : memref<128xf32, #tpu.memory_space<vmem>>) offsets(%arg13 : memref<128xi32, #tpu.memory_space<vmem>>) semaphore(%arg21 : memref<!tpu.dma_semaphore, #tpu.memory_space<semaphore_mem>>)
    %dma_wait3A = arith.constant 0 : i32
    %dma_wait3A_12 = tpu.memref_slice %arg6[%dma_wait3A] : memref<2048xf32, #tpu.memory_space<hbm>> -> memref<2048xf32, #tpu.memory_space<hbm>>
    tpu.wait_indirect_dma semaphore(%arg20 : memref<!tpu.dma_semaphore, #tpu.memory_space<semaphore_mem>>) src(%dma_wait3A_12 : memref<2048xf32, #tpu.memory_space<hbm>>) dst(%arg16 : memref<128xf32, #tpu.memory_space<vmem>>)
    %dma_wait3A_13 = arith.constant 0 : i32
    %dma_wait3A_14 = tpu.memref_slice %arg7[%dma_wait3A_13] : memref<2048xf32, #tpu.memory_space<hbm>> -> memref<2048xf32, #tpu.memory_space<hbm>>
    tpu.wait_indirect_dma semaphore(%arg21 : memref<!tpu.dma_semaphore, #tpu.memory_space<semaphore_mem>>) src(%dma_wait3A_14 : memref<2048xf32, #tpu.memory_space<hbm>>) dst(%arg17 : memref<128xf32, #tpu.memory_space<vmem>>)
    "tpu.region"() ({
      %run_scoped3A = tpu.sem_alloc : memref<!tpu.dma_semaphore, #tpu.memory_space<semaphore_mem>>
      %dma_start3A_21 = tpu.memref_slice %arg10[%mul3A_2] : memref<2048xf32, #tpu.memory_space<hbm>> -> memref<128xf32, #tpu.memory_space<hbm>>
      %dma_start3A_22 = tpu.memref_slice %arg10[%mul3A_2] : memref<2048xf32, #tpu.memory_space<hbm>> -> memref<128xf32, #tpu.memory_space<hbm>>
      tpu.enqueue_dma source(%arg16 : memref<128xf32, #tpu.memory_space<vmem>>) target(%dma_start3A_22 : memref<128xf32, #tpu.memory_space<hbm>>) target_semaphore(%run_scoped3A : memref<!tpu.dma_semaphore, #tpu.memory_space<semaphore_mem>>)
      %dma_wait3A_23 = tpu.memref_slice %arg10[%mul3A_2] : memref<2048xf32, #tpu.memory_space<hbm>> -> memref<128xf32, #tpu.memory_space<hbm>>
      %dma_wait3A_24 = tpu.memref_slice %arg10[%mul3A_2] : memref<2048xf32, #tpu.memory_space<hbm>> -> memref<128xf32, #tpu.memory_space<hbm>>
      tpu.wait_dma2 semaphore(%run_scoped3A : memref<!tpu.dma_semaphore, #tpu.memory_space<semaphore_mem>>) src(%arg16 : memref<128xf32, #tpu.memory_space<vmem>>) dst(%dma_wait3A_24 : memref<128xf32, #tpu.memory_space<hbm>>)
      tpu.yield
    }) : () -> ()
    "tpu.region"() ({
      %run_scoped3A = tpu.sem_alloc : memref<!tpu.dma_semaphore, #tpu.memory_space<semaphore_mem>>
      %dma_start3A_21 = tpu.memref_slice %arg11[%mul3A_2] : memref<2048xf32, #tpu.memory_space<hbm>> -> memref<128xf32, #tpu.memory_space<hbm>>
      %dma_start3A_22 = tpu.memref_slice %arg11[%mul3A_2] : memref<2048xf32, #tpu.memory_space<hbm>> -> memref<128xf32, #tpu.memory_space<hbm>>
      tpu.enqueue_dma source(%arg17 : memref<128xf32, #tpu.memory_space<vmem>>) target(%dma_start3A_22 : memref<128xf32, #tpu.memory_space<hbm>>) target_semaphore(%run_scoped3A : memref<!tpu.dma_semaphore, #tpu.memory_space<semaphore_mem>>)
      %dma_wait3A_23 = tpu.memref_slice %arg11[%mul3A_2] : memref<2048xf32, #tpu.memory_space<hbm>> -> memref<128xf32, #tpu.memory_space<hbm>>
      %dma_wait3A_24 = tpu.memref_slice %arg11[%mul3A_2] : memref<2048xf32, #tpu.memory_space<hbm>> -> memref<128xf32, #tpu.memory_space<hbm>>
      tpu.wait_dma2 semaphore(%run_scoped3A : memref<!tpu.dma_semaphore, #tpu.memory_space<semaphore_mem>>) src(%arg17 : memref<128xf32, #tpu.memory_space<vmem>>) dst(%dma_wait3A_24 : memref<128xf32, #tpu.memory_space<hbm>>)
      tpu.yield
    }) : () -> ()
    %dma_wait3A_15 = arith.constant 0 : i32
    %dma_wait3A_16 = arith.constant 0 : i32
    %dma_wait3A_17 = tpu.memref_slice %arg2[%dma_wait3A_15, %dma_wait3A_16] : memref<1024x256xf32, #tpu.memory_space<hbm>> -> memref<1024x256xf32, #tpu.memory_space<hbm>>
    tpu.wait_indirect_dma semaphore(%arg18 : memref<!tpu.dma_semaphore, #tpu.memory_space<semaphore_mem>>) src(%dma_wait3A_17 : memref<1024x256xf32, #tpu.memory_space<hbm>>) dst(%arg14 : memref<128x256xf32, #tpu.memory_space<vmem>>)
    %dma_wait3A_18 = arith.constant 0 : i32
    %dma_wait3A_19 = arith.constant 0 : i32
    %dma_wait3A_20 = tpu.memref_slice %arg3[%dma_wait3A_18, %dma_wait3A_19] : memref<1024x256xf32, #tpu.memory_space<hbm>> -> memref<1024x256xf32, #tpu.memory_space<hbm>>
    tpu.wait_indirect_dma semaphore(%arg19 : memref<!tpu.dma_semaphore, #tpu.memory_space<semaphore_mem>>) src(%dma_wait3A_20 : memref<1024x256xf32, #tpu.memory_space<hbm>>) dst(%arg15 : memref<128x256xf32, #tpu.memory_space<vmem>>)
    "tpu.region"() ({
      %run_scoped3A = tpu.sem_alloc : memref<!tpu.dma_semaphore, #tpu.memory_space<semaphore_mem>>
      %dma_start3A_21 = arith.constant 0 : i32
      %dma_start3A_22 = tpu.memref_slice %arg8[%mul3A_2, %dma_start3A_21] : memref<2048x256xf32, #tpu.memory_space<hbm>> -> memref<128x256xf32, #tpu.memory_space<hbm>>
      %dma_start3A_23 = arith.constant 0 : i32
      %dma_start3A_24 = tpu.memref_slice %arg8[%mul3A_2, %dma_start3A_23] : memref<2048x256xf32, #tpu.memory_space<hbm>> -> memref<128x256xf32, #tpu.memory_space<hbm>>
      tpu.enqueue_dma source(%arg14 : memref<128x256xf32, #tpu.memory_space<vmem>>) target(%dma_start3A_24 : memref<128x256xf32, #tpu.memory_space<hbm>>) target_semaphore(%run_scoped3A : memref<!tpu.dma_semaphore, #tpu.memory_space<semaphore_mem>>)
      %dma_wait3A_25 = arith.constant 0 : i32
      %dma_wait3A_26 = tpu.memref_slice %arg8[%mul3A_2, %dma_wait3A_25] : memref<2048x256xf32, #tpu.memory_space<hbm>> -> memref<128x256xf32, #tpu.memory_space<hbm>>
      %dma_wait3A_27 = arith.constant 0 : i32
      %dma_wait3A_28 = tpu.memref_slice %arg8[%mul3A_2, %dma_wait3A_27] : memref<2048x256xf32, #tpu.memory_space<hbm>> -> memref<128x256xf32, #tpu.memory_space<hbm>>
      tpu.wait_dma2 semaphore(%run_scoped3A : memref<!tpu.dma_semaphore, #tpu.memory_space<semaphore_mem>>) src(%arg14 : memref<128x256xf32, #tpu.memory_space<vmem>>) dst(%dma_wait3A_28 : memref<128x256xf32, #tpu.memory_space<hbm>>)
      tpu.yield
    }) : () -> ()
    "tpu.region"() ({
      %run_scoped3A = tpu.sem_alloc : memref<!tpu.dma_semaphore, #tpu.memory_space<semaphore_mem>>
      %dma_start3A_21 = arith.constant 0 : i32
      %dma_start3A_22 = tpu.memref_slice %arg9[%mul3A_2, %dma_start3A_21] : memref<2048x256xf32, #tpu.memory_space<hbm>> -> memref<128x256xf32, #tpu.memory_space<hbm>>
      %dma_start3A_23 = arith.constant 0 : i32
      %dma_start3A_24 = tpu.memref_slice %arg9[%mul3A_2, %dma_start3A_23] : memref<2048x256xf32, #tpu.memory_space<hbm>> -> memref<128x256xf32, #tpu.memory_space<hbm>>
      tpu.enqueue_dma source(%arg15 : memref<128x256xf32, #tpu.memory_space<vmem>>) target(%dma_start3A_24 : memref<128x256xf32, #tpu.memory_space<hbm>>) target_semaphore(%run_scoped3A : memref<!tpu.dma_semaphore, #tpu.memory_space<semaphore_mem>>)
      %dma_wait3A_25 = arith.constant 0 : i32
      %dma_wait3A_26 = tpu.memref_slice %arg9[%mul3A_2, %dma_wait3A_25] : memref<2048x256xf32, #tpu.memory_space<hbm>> -> memref<128x256xf32, #tpu.memory_space<hbm>>
      %dma_wait3A_27 = arith.constant 0 : i32
      %dma_wait3A_28 = tpu.memref_slice %arg9[%mul3A_2, %dma_wait3A_27] : memref<2048x256xf32, #tpu.memory_space<hbm>> -> memref<128x256xf32, #tpu.memory_space<hbm>>
      tpu.wait_dma2 semaphore(%run_scoped3A : memref<!tpu.dma_semaphore, #tpu.memory_space<semaphore_mem>>) src(%arg15 : memref<128x256xf32, #tpu.memory_space<vmem>>) dst(%dma_wait3A_28 : memref<128x256xf32, #tpu.memory_space<hbm>>)
      tpu.yield
    }) : () -> ()
    return
  }
}

module attributes {stable_mosaic.version = 14 : i64} {
  func.func @_attn_body(%arg0: i32, %arg1: i32, %arg2: memref<1024x256xf32, #tpu.memory_space<vmem>>, %arg3: memref<2048x256xf32, #tpu.memory_space<vmem>>, %arg4: memref<2048x256xf32, #tpu.memory_space<vmem>>, %arg5: memref<256x256xf32, #tpu.memory_space<vmem>>, %arg6: memref<1x256xf32, #tpu.memory_space<vmem>>, %arg7: memref<256x256xf32, #tpu.memory_space<vmem>>, %arg8: memref<1x256xf32, #tpu.memory_space<vmem>>, %arg9: memref<256x256xf32, #tpu.memory_space<vmem>>, %arg10: memref<1x256xf32, #tpu.memory_space<vmem>>, %arg11: memref<1x2048xf32, #tpu.memory_space<vmem>>, %arg12: memref<1x2048xf32, #tpu.memory_space<vmem>>, %arg13: memref<1x2048xi32, #tpu.memory_space<vmem>>, %arg14: memref<1x512xf32, #tpu.memory_space<vmem>>, %arg15: memref<1x512xf32, #tpu.memory_space<vmem>>, %arg16: memref<512x256xf32, #tpu.memory_space<vmem>>, %arg17: memref<1x256xf32, #tpu.memory_space<vmem>>, %arg18: memref<1024x256xf32, #tpu.memory_space<vmem>>, %arg19: memref<1024x512xf32, #tpu.memory_space<vmem>>) attributes {dimension_semantics = [#tpu.dimension_semantics<arbitrary>, #tpu.dimension_semantics<arbitrary>], iteration_bounds = array<i64: 1, 2>, scalar_prefetch = 0 : i64, scratch_operands = 1 : i64, tpu.core_type = #tpu.core_type<tc>, window_params = [{transform_indices = @transform_0, window_bounds = array<i64: 1024, 256>}, {pipeline_mode = #tpu.pipeline_mode<synchronous>, transform_indices = @transform_1, window_bounds = array<i64: 2048, 256>}, {pipeline_mode = #tpu.pipeline_mode<synchronous>, transform_indices = @transform_2, window_bounds = array<i64: 2048, 256>}, {transform_indices = @transform_3, window_bounds = array<i64: 256, 256>}, {transform_indices = @transform_4, window_bounds = array<i64: 1, 256>}, {transform_indices = @transform_5, window_bounds = array<i64: 256, 256>}, {transform_indices = @transform_6, window_bounds = array<i64: 1, 256>}, {transform_indices = @transform_7, window_bounds = array<i64: 256, 256>}, {transform_indices = @transform_8, window_bounds = array<i64: 1, 256>}, {pipeline_mode = #tpu.pipeline_mode<synchronous>, transform_indices = @transform_9, window_bounds = array<i64: 1, 2048>}, {pipeline_mode = #tpu.pipeline_mode<synchronous>, transform_indices = @transform_10, window_bounds = array<i64: 1, 2048>}, {pipeline_mode = #tpu.pipeline_mode<synchronous>, transform_indices = @transform_11, window_bounds = array<i64: 1, 2048>}, {pipeline_mode = #tpu.pipeline_mode<synchronous>, transform_indices = @transform_12, window_bounds = array<i64: 1, 512>}, {pipeline_mode = #tpu.pipeline_mode<synchronous>, transform_indices = @transform_13, window_bounds = array<i64: 1, 512>}, {pipeline_mode = #tpu.pipeline_mode<synchronous>, transform_indices = @transform_14, window_bounds = array<i64: 512, 256>}, {pipeline_mode = #tpu.pipeline_mode<synchronous>, transform_indices = @transform_15, window_bounds = array<i64: 1, 256>}, {transform_indices = @transform_16, window_bounds = array<i64: 1024, 256>}]} {
    %get3A = arith.constant 0 : index
    %get3A_0 = arith.constant 0 : index
    %get3A_1 = vector.load %arg2[%get3A, %get3A_0] : memref<1024x256xf32, #tpu.memory_space<vmem>>, vector<1024x256xf32>
    %get3A_2 = arith.constant 0 : index
    %get3A_3 = arith.constant 0 : index
    %get3A_4 = vector.load %arg5[%get3A_2, %get3A_3] : memref<256x256xf32, #tpu.memory_space<vmem>>, vector<256x256xf32>
    %dot_general3A = arith.constant dense<0.000000e+00> : vector<1024x256xf32>
    %dot_general3A_5 = tpu.matmul %get3A_1, %get3A_4, %dot_general3A {dimension_numbers = #tpu.dot_dimension_numbers<[1], [0], [0], [1], [0, 0, 1, 1], [], []>, transpose_lhs_hint = false} : vector<1024x256xf32>, vector<256x256xf32>, vector<1024x256xf32> -> vector<1024x256xf32>
    %get3A_6 = arith.constant 0 : index
    %get3A_7 = arith.constant 0 : index
    %get3A_8 = vector.load %arg6[%get3A_6, %get3A_7] : memref<1x256xf32, #tpu.memory_space<vmem>>, vector<1x256xf32>
    %add3A = vector.broadcast %get3A_8 : vector<1x256xf32> to vector<1024x256xf32>
    %add3A_9 = arith.addf %dot_general3A_5, %add3A : vector<1024x256xf32>
    %mul3A = arith.constant 1.250000e-01 : f32
    %mul3A_10 = vector.broadcast %mul3A : f32 to vector<1024x256xf32>
    %mul3A_11 = arith.mulf %add3A_9, %mul3A_10 : vector<1024x256xf32>
    %get3A_12 = arith.constant 0 : index
    %get3A_13 = arith.constant 0 : index
    %get3A_14 = vector.load %arg3[%get3A_12, %get3A_13] : memref<2048x256xf32, #tpu.memory_space<vmem>>, vector<2048x256xf32>
    %get3A_15 = arith.constant 0 : index
    %get3A_16 = arith.constant 0 : index
    %get3A_17 = vector.load %arg7[%get3A_15, %get3A_16] : memref<256x256xf32, #tpu.memory_space<vmem>>, vector<256x256xf32>
    %dot_general3A_18 = arith.constant dense<0.000000e+00> : vector<2048x256xf32>
    %dot_general3A_19 = tpu.matmul %get3A_14, %get3A_17, %dot_general3A_18 {dimension_numbers = #tpu.dot_dimension_numbers<[1], [0], [0], [1], [0, 0, 1, 1], [], []>, transpose_lhs_hint = false} : vector<2048x256xf32>, vector<256x256xf32>, vector<2048x256xf32> -> vector<2048x256xf32>
    %get3A_20 = arith.constant 0 : index
    %get3A_21 = arith.constant 0 : index
    %get3A_22 = vector.load %arg8[%get3A_20, %get3A_21] : memref<1x256xf32, #tpu.memory_space<vmem>>, vector<1x256xf32>
    %add3A_23 = vector.broadcast %get3A_22 : vector<1x256xf32> to vector<2048x256xf32>
    %add3A_24 = arith.addf %dot_general3A_19, %add3A_23 : vector<2048x256xf32>
    %get3A_25 = arith.constant 0 : index
    %get3A_26 = arith.constant 0 : index
    %get3A_27 = vector.load %arg4[%get3A_25, %get3A_26] : memref<2048x256xf32, #tpu.memory_space<vmem>>, vector<2048x256xf32>
    %get3A_28 = arith.constant 0 : index
    %get3A_29 = arith.constant 0 : index
    %get3A_30 = vector.load %arg9[%get3A_28, %get3A_29] : memref<256x256xf32, #tpu.memory_space<vmem>>, vector<256x256xf32>
    %dot_general3A_31 = arith.constant dense<0.000000e+00> : vector<2048x256xf32>
    %dot_general3A_32 = tpu.matmul %get3A_27, %get3A_30, %dot_general3A_31 {dimension_numbers = #tpu.dot_dimension_numbers<[1], [0], [0], [1], [0, 0, 1, 1], [], []>, transpose_lhs_hint = false} : vector<2048x256xf32>, vector<256x256xf32>, vector<2048x256xf32> -> vector<2048x256xf32>
    %get3A_33 = arith.constant 0 : index
    %get3A_34 = arith.constant 0 : index
    %get3A_35 = vector.load %arg10[%get3A_33, %get3A_34] : memref<1x256xf32, #tpu.memory_space<vmem>>, vector<1x256xf32>
    %add3A_36 = vector.broadcast %get3A_35 : vector<1x256xf32> to vector<2048x256xf32>
    %add3A_37 = arith.addf %dot_general3A_32, %add3A_36 : vector<2048x256xf32>
    %get3A_38 = arith.constant 0 : index
    %get3A_39 = arith.constant 0 : index
    %get3A_40 = vector.load %arg11[%get3A_38, %get3A_39] : memref<1x2048xf32, #tpu.memory_space<vmem>>, vector<1x2048xf32>
    %get3A_41 = arith.constant 0 : index
    %get3A_42 = arith.constant 0 : index
    %get3A_43 = vector.load %arg12[%get3A_41, %get3A_42] : memref<1x2048xf32, #tpu.memory_space<vmem>>, vector<1x2048xf32>
    %iota3A = tpu.iota {dimensions = array<i32: 0>} : vector<8x2048xi32>
    %get3A_44 = arith.constant 0 : index
    %get3A_45 = arith.constant 0 : index
    %get3A_46 = vector.load %arg13[%get3A_44, %get3A_45] : memref<1x2048xi32, #tpu.memory_space<vmem>>, vector<1x2048xi32>
    %eq3A = vector.broadcast %get3A_46 : vector<1x2048xi32> to vector<8x2048xi32>
    %eq3A_47 = arith.cmpi eq, %iota3A, %eq3A : vector<8x2048xi32>
    %broadcast_in_dim3A = arith.constant 0.000000e+00 : f32
    %broadcast_in_dim3A_48 = vector.broadcast %broadcast_in_dim3A : f32 to vector<8x2048xf32>
    %broadcast_in_dim3A_49 = vector.shape_cast %get3A_43 : vector<1x2048xf32> to vector<1x2048xf32>
    %broadcast_in_dim3A_50 = vector.broadcast %broadcast_in_dim3A_49 : vector<1x2048xf32> to vector<8x2048xf32>
    %select_n3A = arith.select %eq3A_47, %broadcast_in_dim3A_50, %broadcast_in_dim3A_48 : vector<8x2048xi1>, vector<8x2048xf32>
    %convert_element_type3A = arith.truncf %select_n3A : vector<8x2048xf32> to vector<8x2048xbf16>
    %mul3A_51 = arith.mulf %get3A_43, %get3A_43 : vector<1x2048xf32>
    %broadcast_in_dim3A_52 = vector.shape_cast %mul3A_51 : vector<1x2048xf32> to vector<1x2048xf32>
    %broadcast_in_dim3A_53 = vector.broadcast %broadcast_in_dim3A_52 : vector<1x2048xf32> to vector<8x2048xf32>
    %select_n3A_54 = arith.select %eq3A_47, %broadcast_in_dim3A_53, %broadcast_in_dim3A_48 : vector<8x2048xi1>, vector<8x2048xf32>
    %convert_element_type3A_55 = arith.truncf %select_n3A_54 : vector<8x2048xf32> to vector<8x2048xbf16>
    %convert_element_type3A_56 = arith.truncf %mul3A_11 : vector<1024x256xf32> to vector<1024x256xbf16>
    %convert_element_type3A_57 = arith.truncf %add3A_24 : vector<2048x256xf32> to vector<2048x256xbf16>
    %convert_element_type3A_58 = arith.truncf %add3A_37 : vector<2048x256xf32> to vector<2048x256xbf16>
    %iota3A_59 = tpu.iota {dimensions = array<i32: 1>} : vector<1x256xi32>
    %jit3A = arith.constant 64 : i32
    %div3A = vector.broadcast %jit3A : i32 to vector<1x256xi32>
    %div3A_60 = arith.divsi %iota3A_59, %div3A : vector<1x256xi32>
    %sign3A = arith.constant 0 : i32
    %sign3A_61 = vector.broadcast %sign3A : i32 to vector<1x256xi32>
    %sign3A_62 = arith.cmpi sgt, %iota3A_59, %sign3A_61 : vector<1x256xi32>
    %sign3A_63 = arith.extui %sign3A_62 : vector<1x256xi1> to vector<1x256xi32>
    %sign3A_64 = arith.constant 0 : i32
    %sign3A_65 = vector.broadcast %sign3A_64 : i32 to vector<1x256xi32>
    %sign3A_66 = arith.cmpi slt, %iota3A_59, %sign3A_65 : vector<1x256xi32>
    %sign3A_67 = arith.extui %sign3A_66 : vector<1x256xi1> to vector<1x256xi32>
    %sign3A_68 = arith.subi %sign3A_63, %sign3A_67 : vector<1x256xi32>
    %sign3A_69 = arith.constant 0 : i32
    %sign3A_70 = arith.cmpi sgt, %jit3A, %sign3A_69 : i32
    %sign3A_71 = arith.extui %sign3A_70 : i1 to i32
    %sign3A_72 = arith.constant 0 : i32
    %sign3A_73 = arith.cmpi slt, %jit3A, %sign3A_72 : i32
    %sign3A_74 = arith.extui %sign3A_73 : i1 to i32
    %sign3A_75 = arith.subi %sign3A_71, %sign3A_74 : i32
    %ne3A = vector.broadcast %sign3A_75 : i32 to vector<1x256xi32>
    %ne3A_76 = arith.cmpi ne, %sign3A_68, %ne3A : vector<1x256xi32>
    %rem3A = vector.broadcast %jit3A : i32 to vector<1x256xi32>
    %rem3A_77 = arith.remsi %iota3A_59, %rem3A : vector<1x256xi32>
    %ne3A_78 = arith.constant 0 : i32
    %ne3A_79 = vector.broadcast %ne3A_78 : i32 to vector<1x256xi32>
    %ne3A_80 = arith.cmpi ne, %rem3A_77, %ne3A_79 : vector<1x256xi32>
    %and3A = arith.andi %ne3A_76, %ne3A_80 : vector<1x256xi1>
    %sub3A = arith.constant 1 : i32
    %sub3A_81 = vector.broadcast %sub3A : i32 to vector<1x256xi32>
    %sub3A_82 = arith.subi %div3A_60, %sub3A_81 : vector<1x256xi32>
    %select_n3A_83 = arith.select %and3A, %sub3A_82, %div3A_60 : vector<1x256xi1>, vector<1x256xi32>
    %eq3A_84 = arith.constant 0 : i32
    %eq3A_85 = vector.broadcast %eq3A_84 : i32 to vector<1x256xi32>
    %eq3A_86 = arith.cmpi eq, %select_n3A_83, %eq3A_85 : vector<1x256xi32>
    %convert_element_type3A_87 = arith.extui %eq3A_86 : vector<1x256xi1> to vector<1x256xi32>
    %convert_element_type3A_88 = arith.sitofp %convert_element_type3A_87 : vector<1x256xi32> to vector<1x256xf32>
    %convert_element_type3A_89 = arith.truncf %convert_element_type3A_88 : vector<1x256xf32> to vector<1x256xbf16>
    %eq3A_90 = arith.constant 1 : i32
    %eq3A_91 = vector.broadcast %eq3A_90 : i32 to vector<1x256xi32>
    %eq3A_92 = arith.cmpi eq, %select_n3A_83, %eq3A_91 : vector<1x256xi32>
    %convert_element_type3A_93 = arith.extui %eq3A_92 : vector<1x256xi1> to vector<1x256xi32>
    %convert_element_type3A_94 = arith.sitofp %convert_element_type3A_93 : vector<1x256xi32> to vector<1x256xf32>
    %convert_element_type3A_95 = arith.truncf %convert_element_type3A_94 : vector<1x256xf32> to vector<1x256xbf16>
    %eq3A_96 = arith.constant 2 : i32
    %eq3A_97 = vector.broadcast %eq3A_96 : i32 to vector<1x256xi32>
    %eq3A_98 = arith.cmpi eq, %select_n3A_83, %eq3A_97 : vector<1x256xi32>
    %convert_element_type3A_99 = arith.extui %eq3A_98 : vector<1x256xi1> to vector<1x256xi32>
    %convert_element_type3A_100 = arith.sitofp %convert_element_type3A_99 : vector<1x256xi32> to vector<1x256xf32>
    %convert_element_type3A_101 = arith.truncf %convert_element_type3A_100 : vector<1x256xf32> to vector<1x256xbf16>
    %eq3A_102 = arith.constant 3 : i32
    %eq3A_103 = vector.broadcast %eq3A_102 : i32 to vector<1x256xi32>
    %eq3A_104 = arith.cmpi eq, %select_n3A_83, %eq3A_103 : vector<1x256xi32>
    %convert_element_type3A_105 = arith.extui %eq3A_104 : vector<1x256xi1> to vector<1x256xi32>
    %convert_element_type3A_106 = arith.sitofp %convert_element_type3A_105 : vector<1x256xi32> to vector<1x256xf32>
    %convert_element_type3A_107 = arith.truncf %convert_element_type3A_106 : vector<1x256xf32> to vector<1x256xbf16>
    %mul3A_108 = vector.broadcast %convert_element_type3A_89 : vector<1x256xbf16> to vector<2048x256xbf16>
    %mul3A_109 = arith.mulf %convert_element_type3A_57, %mul3A_108 : vector<2048x256xbf16>
    %dot_general3A_110 = arith.constant dense<0.000000e+00> : vector<1024x2048xf32>
    %dot_general3A_111 = tpu.matmul %convert_element_type3A_56, %mul3A_109, %dot_general3A_110 {dimension_numbers = #tpu.dot_dimension_numbers<[1], [1], [0], [0], [0, 0, 1, 0], [], []>, transpose_lhs_hint = false} : vector<1024x256xbf16>, vector<2048x256xbf16>, vector<1024x2048xf32> -> vector<1024x2048xf32>
    %add3A_112 = vector.broadcast %get3A_40 : vector<1x2048xf32> to vector<1024x2048xf32>
    %add3A_113 = arith.addf %dot_general3A_111, %add3A_112 : vector<1024x2048xf32>
    %exp3A = math.exp %add3A_113 : vector<1024x2048xf32>
    %convert_element_type3A_114 = arith.truncf %exp3A : vector<1024x2048xf32> to vector<1024x2048xbf16>
    %mul3A_115 = vector.broadcast %convert_element_type3A_95 : vector<1x256xbf16> to vector<2048x256xbf16>
    %mul3A_116 = arith.mulf %convert_element_type3A_57, %mul3A_115 : vector<2048x256xbf16>
    %dot_general3A_117 = arith.constant dense<0.000000e+00> : vector<1024x2048xf32>
    %dot_general3A_118 = tpu.matmul %convert_element_type3A_56, %mul3A_116, %dot_general3A_117 {dimension_numbers = #tpu.dot_dimension_numbers<[1], [1], [0], [0], [0, 0, 1, 0], [], []>, transpose_lhs_hint = false} : vector<1024x256xbf16>, vector<2048x256xbf16>, vector<1024x2048xf32> -> vector<1024x2048xf32>
    %add3A_119 = vector.broadcast %get3A_40 : vector<1x2048xf32> to vector<1024x2048xf32>
    %add3A_120 = arith.addf %dot_general3A_118, %add3A_119 : vector<1024x2048xf32>
    %exp3A_121 = math.exp %add3A_120 : vector<1024x2048xf32>
    %convert_element_type3A_122 = arith.truncf %exp3A_121 : vector<1024x2048xf32> to vector<1024x2048xbf16>
    %mul3A_123 = vector.broadcast %convert_element_type3A_101 : vector<1x256xbf16> to vector<2048x256xbf16>
    %mul3A_124 = arith.mulf %convert_element_type3A_57, %mul3A_123 : vector<2048x256xbf16>
    %dot_general3A_125 = arith.constant dense<0.000000e+00> : vector<1024x2048xf32>
    %dot_general3A_126 = tpu.matmul %convert_element_type3A_56, %mul3A_124, %dot_general3A_125 {dimension_numbers = #tpu.dot_dimension_numbers<[1], [1], [0], [0], [0, 0, 1, 0], [], []>, transpose_lhs_hint = false} : vector<1024x256xbf16>, vector<2048x256xbf16>, vector<1024x2048xf32> -> vector<1024x2048xf32>
    %add3A_127 = vector.broadcast %get3A_40 : vector<1x2048xf32> to vector<1024x2048xf32>
    %add3A_128 = arith.addf %dot_general3A_126, %add3A_127 : vector<1024x2048xf32>
    %exp3A_129 = math.exp %add3A_128 : vector<1024x2048xf32>
    %convert_element_type3A_130 = arith.truncf %exp3A_129 : vector<1024x2048xf32> to vector<1024x2048xbf16>
    %mul3A_131 = vector.broadcast %convert_element_type3A_107 : vector<1x256xbf16> to vector<2048x256xbf16>
    %mul3A_132 = arith.mulf %convert_element_type3A_57, %mul3A_131 : vector<2048x256xbf16>
    %dot_general3A_133 = arith.constant dense<0.000000e+00> : vector<1024x2048xf32>
    %dot_general3A_134 = tpu.matmul %convert_element_type3A_56, %mul3A_132, %dot_general3A_133 {dimension_numbers = #tpu.dot_dimension_numbers<[1], [1], [0], [0], [0, 0, 1, 0], [], []>, transpose_lhs_hint = false} : vector<1024x256xbf16>, vector<2048x256xbf16>, vector<1024x2048xf32> -> vector<1024x2048xf32>
    %add3A_135 = vector.broadcast %get3A_40 : vector<1x2048xf32> to vector<1024x2048xf32>
    %add3A_136 = arith.addf %dot_general3A_134, %add3A_135 : vector<1024x2048xf32>
    %exp3A_137 = math.exp %add3A_136 : vector<1024x2048xf32>
    %convert_element_type3A_138 = arith.truncf %exp3A_137 : vector<1024x2048xf32> to vector<1024x2048xbf16>
    %dot_general3A_139 = arith.constant dense<0.000000e+00> : vector<1024x8xf32>
    %dot_general3A_140 = tpu.matmul %convert_element_type3A_114, %convert_element_type3A, %dot_general3A_139 {dimension_numbers = #tpu.dot_dimension_numbers<[1], [1], [0], [0], [0, 0, 1, 0], [], []>, transpose_lhs_hint = false} : vector<1024x2048xbf16>, vector<8x2048xbf16>, vector<1024x8xf32> -> vector<1024x8xf32>
    %add3A_141 = arith.constant 1.000000e-16 : f32
    %add3A_142 = vector.broadcast %add3A_141 : f32 to vector<1024x8xf32>
    %add3A_143 = arith.addf %dot_general3A_140, %add3A_142 : vector<1024x8xf32>
    %div3A_144 = arith.constant 1.000000e+00 : f32
    %div3A_145 = vector.broadcast %div3A_144 : f32 to vector<1024x8xf32>
    %div3A_146 = arith.divf %div3A_145, %add3A_143 : vector<1024x8xf32>
    %convert_element_type3A_147 = arith.truncf %div3A_146 : vector<1024x8xf32> to vector<1024x8xbf16>
    %dot_general3A_148 = arith.constant dense<0.000000e+00> : vector<1024x2048xf32>
    %dot_general3A_149 = tpu.matmul %convert_element_type3A_147, %convert_element_type3A_55, %dot_general3A_148 {dimension_numbers = #tpu.dot_dimension_numbers<[1], [0], [0], [1], [0, 0, 1, 1], [], []>, transpose_lhs_hint = false} : vector<1024x8xbf16>, vector<8x2048xbf16>, vector<1024x2048xf32> -> vector<1024x2048xf32>
    %convert_element_type3A_150 = arith.truncf %dot_general3A_149 : vector<1024x2048xf32> to vector<1024x2048xbf16>
    %mul3A_151 = arith.mulf %convert_element_type3A_114, %convert_element_type3A_150 : vector<1024x2048xbf16>
    %mul3A_152 = vector.broadcast %convert_element_type3A_89 : vector<1x256xbf16> to vector<2048x256xbf16>
    %mul3A_153 = arith.mulf %convert_element_type3A_58, %mul3A_152 : vector<2048x256xbf16>
    %dot_general3A_154 = arith.constant dense<0.000000e+00> : vector<1024x256xf32>
    %dot_general3A_155 = tpu.matmul %mul3A_151, %mul3A_153, %dot_general3A_154 {dimension_numbers = #tpu.dot_dimension_numbers<[1], [0], [0], [1], [0, 0, 1, 1], [], []>, transpose_lhs_hint = false} : vector<1024x2048xbf16>, vector<2048x256xbf16>, vector<1024x256xf32> -> vector<1024x256xf32>
    %dot_general3A_156 = arith.constant dense<0.000000e+00> : vector<1024x8xf32>
    %dot_general3A_157 = tpu.matmul %convert_element_type3A_122, %convert_element_type3A, %dot_general3A_156 {dimension_numbers = #tpu.dot_dimension_numbers<[1], [1], [0], [0], [0, 0, 1, 0], [], []>, transpose_lhs_hint = false} : vector<1024x2048xbf16>, vector<8x2048xbf16>, vector<1024x8xf32> -> vector<1024x8xf32>
    %add3A_158 = arith.constant 1.000000e-16 : f32
    %add3A_159 = vector.broadcast %add3A_158 : f32 to vector<1024x8xf32>
    %add3A_160 = arith.addf %dot_general3A_157, %add3A_159 : vector<1024x8xf32>
    %div3A_161 = arith.constant 1.000000e+00 : f32
    %div3A_162 = vector.broadcast %div3A_161 : f32 to vector<1024x8xf32>
    %div3A_163 = arith.divf %div3A_162, %add3A_160 : vector<1024x8xf32>
    %convert_element_type3A_164 = arith.truncf %div3A_163 : vector<1024x8xf32> to vector<1024x8xbf16>
    %dot_general3A_165 = arith.constant dense<0.000000e+00> : vector<1024x2048xf32>
    %dot_general3A_166 = tpu.matmul %convert_element_type3A_164, %convert_element_type3A_55, %dot_general3A_165 {dimension_numbers = #tpu.dot_dimension_numbers<[1], [0], [0], [1], [0, 0, 1, 1], [], []>, transpose_lhs_hint = false} : vector<1024x8xbf16>, vector<8x2048xbf16>, vector<1024x2048xf32> -> vector<1024x2048xf32>
    %convert_element_type3A_167 = arith.truncf %dot_general3A_166 : vector<1024x2048xf32> to vector<1024x2048xbf16>
    %mul3A_168 = arith.mulf %convert_element_type3A_122, %convert_element_type3A_167 : vector<1024x2048xbf16>
    %mul3A_169 = vector.broadcast %convert_element_type3A_95 : vector<1x256xbf16> to vector<2048x256xbf16>
    %mul3A_170 = arith.mulf %convert_element_type3A_58, %mul3A_169 : vector<2048x256xbf16>
    %dot_general3A_171 = arith.constant dense<0.000000e+00> : vector<1024x256xf32>
    %dot_general3A_172 = tpu.matmul %mul3A_168, %mul3A_170, %dot_general3A_171 {dimension_numbers = #tpu.dot_dimension_numbers<[1], [0], [0], [1], [0, 0, 1, 1], [], []>, transpose_lhs_hint = false} : vector<1024x2048xbf16>, vector<2048x256xbf16>, vector<1024x256xf32> -> vector<1024x256xf32>
    %add3A_173 = arith.addf %dot_general3A_155, %dot_general3A_172 : vector<1024x256xf32>
    %dot_general3A_174 = arith.constant dense<0.000000e+00> : vector<1024x8xf32>
    %dot_general3A_175 = tpu.matmul %convert_element_type3A_130, %convert_element_type3A, %dot_general3A_174 {dimension_numbers = #tpu.dot_dimension_numbers<[1], [1], [0], [0], [0, 0, 1, 0], [], []>, transpose_lhs_hint = false} : vector<1024x2048xbf16>, vector<8x2048xbf16>, vector<1024x8xf32> -> vector<1024x8xf32>
    %add3A_176 = arith.constant 1.000000e-16 : f32
    %add3A_177 = vector.broadcast %add3A_176 : f32 to vector<1024x8xf32>
    %add3A_178 = arith.addf %dot_general3A_175, %add3A_177 : vector<1024x8xf32>
    %div3A_179 = arith.constant 1.000000e+00 : f32
    %div3A_180 = vector.broadcast %div3A_179 : f32 to vector<1024x8xf32>
    %div3A_181 = arith.divf %div3A_180, %add3A_178 : vector<1024x8xf32>
    %convert_element_type3A_182 = arith.truncf %div3A_181 : vector<1024x8xf32> to vector<1024x8xbf16>
    %dot_general3A_183 = arith.constant dense<0.000000e+00> : vector<1024x2048xf32>
    %dot_general3A_184 = tpu.matmul %convert_element_type3A_182, %convert_element_type3A_55, %dot_general3A_183 {dimension_numbers = #tpu.dot_dimension_numbers<[1], [0], [0], [1], [0, 0, 1, 1], [], []>, transpose_lhs_hint = false} : vector<1024x8xbf16>, vector<8x2048xbf16>, vector<1024x2048xf32> -> vector<1024x2048xf32>
    %convert_element_type3A_185 = arith.truncf %dot_general3A_184 : vector<1024x2048xf32> to vector<1024x2048xbf16>
    %mul3A_186 = arith.mulf %convert_element_type3A_130, %convert_element_type3A_185 : vector<1024x2048xbf16>
    %mul3A_187 = vector.broadcast %convert_element_type3A_101 : vector<1x256xbf16> to vector<2048x256xbf16>
    %mul3A_188 = arith.mulf %convert_element_type3A_58, %mul3A_187 : vector<2048x256xbf16>
    %dot_general3A_189 = arith.constant dense<0.000000e+00> : vector<1024x256xf32>
    %dot_general3A_190 = tpu.matmul %mul3A_186, %mul3A_188, %dot_general3A_189 {dimension_numbers = #tpu.dot_dimension_numbers<[1], [0], [0], [1], [0, 0, 1, 1], [], []>, transpose_lhs_hint = false} : vector<1024x2048xbf16>, vector<2048x256xbf16>, vector<1024x256xf32> -> vector<1024x256xf32>
    %add3A_191 = arith.addf %add3A_173, %dot_general3A_190 : vector<1024x256xf32>
    %dot_general3A_192 = arith.constant dense<0.000000e+00> : vector<1024x8xf32>
    %dot_general3A_193 = tpu.matmul %convert_element_type3A_138, %convert_element_type3A, %dot_general3A_192 {dimension_numbers = #tpu.dot_dimension_numbers<[1], [1], [0], [0], [0, 0, 1, 0], [], []>, transpose_lhs_hint = false} : vector<1024x2048xbf16>, vector<8x2048xbf16>, vector<1024x8xf32> -> vector<1024x8xf32>
    %add3A_194 = arith.constant 1.000000e-16 : f32
    %add3A_195 = vector.broadcast %add3A_194 : f32 to vector<1024x8xf32>
    %add3A_196 = arith.addf %dot_general3A_193, %add3A_195 : vector<1024x8xf32>
    %div3A_197 = arith.constant 1.000000e+00 : f32
    %div3A_198 = vector.broadcast %div3A_197 : f32 to vector<1024x8xf32>
    %div3A_199 = arith.divf %div3A_198, %add3A_196 : vector<1024x8xf32>
    %convert_element_type3A_200 = arith.truncf %div3A_199 : vector<1024x8xf32> to vector<1024x8xbf16>
    %dot_general3A_201 = arith.constant dense<0.000000e+00> : vector<1024x2048xf32>
    %dot_general3A_202 = tpu.matmul %convert_element_type3A_200, %convert_element_type3A_55, %dot_general3A_201 {dimension_numbers = #tpu.dot_dimension_numbers<[1], [0], [0], [1], [0, 0, 1, 1], [], []>, transpose_lhs_hint = false} : vector<1024x8xbf16>, vector<8x2048xbf16>, vector<1024x2048xf32> -> vector<1024x2048xf32>
    %convert_element_type3A_203 = arith.truncf %dot_general3A_202 : vector<1024x2048xf32> to vector<1024x2048xbf16>
    %mul3A_204 = arith.mulf %convert_element_type3A_138, %convert_element_type3A_203 : vector<1024x2048xbf16>
    %mul3A_205 = vector.broadcast %convert_element_type3A_107 : vector<1x256xbf16> to vector<2048x256xbf16>
    %mul3A_206 = arith.mulf %convert_element_type3A_58, %mul3A_205 : vector<2048x256xbf16>
    %dot_general3A_207 = arith.constant dense<0.000000e+00> : vector<1024x256xf32>
    %dot_general3A_208 = tpu.matmul %mul3A_204, %mul3A_206, %dot_general3A_207 {dimension_numbers = #tpu.dot_dimension_numbers<[1], [0], [0], [1], [0, 0, 1, 1], [], []>, transpose_lhs_hint = false} : vector<1024x2048xbf16>, vector<2048x256xbf16>, vector<1024x256xf32> -> vector<1024x256xf32>
    %add3A_209 = arith.addf %add3A_191, %dot_general3A_208 : vector<1024x256xf32>
    %eq3A_210 = arith.constant 0 : i32
    %eq3A_211 = arith.cmpi eq, %arg1, %eq3A_210 : i32
    %convert_element_type3A_212 = arith.extui %eq3A_211 : i1 to i32
    %cond3A = arith.constant 0 : i32
    %cond3A_213 = arith.cmpi ne, %convert_element_type3A_212, %cond3A : i32
    scf.if %cond3A_213 {
      %swap3A = arith.constant 0 : index
      %swap3A_224 = arith.constant 0 : index
      %swap3A_225 = vector.load %arg19[%swap3A, %swap3A_224] : memref<1024x512xf32, #tpu.memory_space<vmem>>, vector<1024x256xf32>
      tpu.vector_store %arg19[%swap3A, %swap3A_224], %add3A_209 {strides = array<i32>} : memref<1024x512xf32, #tpu.memory_space<vmem>>, vector<1024x256xf32>,
    } else {
    }
    %eq3A_214 = arith.constant 1 : i32
    %eq3A_215 = arith.cmpi eq, %arg1, %eq3A_214 : i32
    %convert_element_type3A_216 = arith.extui %eq3A_215 : i1 to i32
    %cond3A_217 = arith.constant 0 : i32
    %cond3A_218 = arith.cmpi ne, %convert_element_type3A_216, %cond3A_217 : i32
    scf.if %cond3A_218 {
      %swap3A = arith.constant 0 : index
      %swap3A_224 = arith.constant 256 : index
      %swap3A_225 = vector.load %arg19[%swap3A, %swap3A_224] : memref<1024x512xf32, #tpu.memory_space<vmem>>, vector<1024x256xf32>
      tpu.vector_store %arg19[%swap3A, %swap3A_224], %add3A_209 {strides = array<i32>} : memref<1024x512xf32, #tpu.memory_space<vmem>>, vector<1024x256xf32>,
    } else {
    }
    %eq3A_219 = arith.constant 1 : i32
    %eq3A_220 = arith.cmpi eq, %arg1, %eq3A_219 : i32
    %convert_element_type3A_221 = arith.extui %eq3A_220 : i1 to i32
    %cond3A_222 = arith.constant 0 : i32
    %cond3A_223 = arith.cmpi ne, %convert_element_type3A_221, %cond3A_222 : i32
    scf.if %cond3A_223 {
      %get3A_224 = arith.constant 0 : index
      %get3A_225 = arith.constant 0 : index
      %get3A_226 = vector.load %arg19[%get3A_224, %get3A_225] : memref<1024x512xf32, #tpu.memory_space<vmem>>, vector<1024x512xf32>
      %reduce_sum3A = arith.constant dense<0.000000e+00> : vector<1024xf32>
      %reduce_sum3A_227 = vector.multi_reduction <add>, %get3A_226, %reduce_sum3A [1] : vector<1024x512xf32> to vector<1024xf32>
      %broadcast_in_dim3A_228 = vector.shape_cast %reduce_sum3A_227 : vector<1024xf32> to vector<1024x1xf32>
      %div3A_229 = arith.constant 5.120000e+02 : f32
      %div3A_230 = vector.broadcast %div3A_229 : f32 to vector<1024x1xf32>
      %div3A_231 = arith.divf %broadcast_in_dim3A_228, %div3A_230 : vector<1024x1xf32>
      %sub3A_232 = vector.broadcast %div3A_231 : vector<1024x1xf32> to vector<1024x512xf32>
      %sub3A_233 = arith.subf %get3A_226, %sub3A_232 : vector<1024x512xf32>
      %mul3A_234 = arith.mulf %sub3A_233, %sub3A_233 : vector<1024x512xf32>
      %reduce_sum3A_235 = arith.constant dense<0.000000e+00> : vector<1024xf32>
      %reduce_sum3A_236 = vector.multi_reduction <add>, %mul3A_234, %reduce_sum3A_235 [1] : vector<1024x512xf32> to vector<1024xf32>
      %broadcast_in_dim3A_237 = vector.shape_cast %reduce_sum3A_236 : vector<1024xf32> to vector<1024x1xf32>
      %div3A_238 = arith.constant 5.120000e+02 : f32
      %div3A_239 = vector.broadcast %div3A_238 : f32 to vector<1024x1xf32>
      %div3A_240 = arith.divf %broadcast_in_dim3A_237, %div3A_239 : vector<1024x1xf32>
      %add3A_241 = arith.constant 1.000000e-07 : f32
      %add3A_242 = vector.broadcast %add3A_241 : f32 to vector<1024x1xf32>
      %add3A_243 = arith.addf %div3A_240, %add3A_242 : vector<1024x1xf32>
      %rsqrt3A = math.rsqrt %add3A_243 : vector<1024x1xf32>
      %mul3A_244 = vector.broadcast %rsqrt3A : vector<1024x1xf32> to vector<1024x512xf32>
      %mul3A_245 = arith.mulf %sub3A_233, %mul3A_244 : vector<1024x512xf32>
      %get3A_246 = arith.constant 0 : index
      %get3A_247 = arith.constant 0 : index
      %get3A_248 = vector.load %arg14[%get3A_246, %get3A_247] : memref<1x512xf32, #tpu.memory_space<vmem>>, vector<1x512xf32>
      %mul3A_249 = vector.broadcast %get3A_248 : vector<1x512xf32> to vector<1024x512xf32>
      %mul3A_250 = arith.mulf %mul3A_245, %mul3A_249 : vector<1024x512xf32>
      %get3A_251 = arith.constant 0 : index
      %get3A_252 = arith.constant 0 : index
      %get3A_253 = vector.load %arg15[%get3A_251, %get3A_252] : memref<1x512xf32, #tpu.memory_space<vmem>>, vector<1x512xf32>
      %add3A_254 = vector.broadcast %get3A_253 : vector<1x512xf32> to vector<1024x512xf32>
      %add3A_255 = arith.addf %mul3A_250, %add3A_254 : vector<1024x512xf32>
      %get3A_256 = arith.constant 0 : index
      %get3A_257 = arith.constant 0 : index
      %get3A_258 = vector.load %arg16[%get3A_256, %get3A_257] : memref<512x256xf32, #tpu.memory_space<vmem>>, vector<512x256xf32>
      %dot_general3A_259 = arith.constant dense<0.000000e+00> : vector<1024x256xf32>
      %dot_general3A_260 = tpu.matmul %add3A_255, %get3A_258, %dot_general3A_259 {dimension_numbers = #tpu.dot_dimension_numbers<[1], [0], [0], [1], [0, 0, 1, 1], [], []>, transpose_lhs_hint = false} : vector<1024x512xf32>, vector<512x256xf32>, vector<1024x256xf32> -> vector<1024x256xf32>
      %get3A_261 = arith.constant 0 : index
      %get3A_262 = arith.constant 0 : index
      %get3A_263 = vector.load %arg17[%get3A_261, %get3A_262] : memref<1x256xf32, #tpu.memory_space<vmem>>, vector<1x256xf32>
      %add3A_264 = vector.broadcast %get3A_263 : vector<1x256xf32> to vector<1024x256xf32>
      %add3A_265 = arith.addf %dot_general3A_260, %add3A_264 : vector<1024x256xf32>
      %swap3A = arith.constant 0 : index
      %swap3A_266 = arith.constant 0 : index
      %swap3A_267 = vector.load %arg18[%swap3A, %swap3A_266] : memref<1024x256xf32, #tpu.memory_space<vmem>>, vector<1024x256xf32>
      tpu.vector_store %arg18[%swap3A, %swap3A_266], %add3A_265 {strides = array<i32>} : memref<1024x256xf32, #tpu.memory_space<vmem>>, vector<1024x256xf32>,
    } else {
    }
    return
  }
  func.func @transform_0(%arg0: i32, %arg1: i32) -> (i32, i32) {
    %c0_i32 = arith.constant 0 : i32
    %c0_i32_0 = arith.constant 0 : i32
    return %arg0, %c0_i32 : i32, i32
  }
  func.func @transform_1(%arg0: i32, %arg1: i32) -> (i32, i32) {
    %c0_i32 = arith.constant 0 : i32
    %c0_i32_0 = arith.constant 0 : i32
    %c0_i32_1 = arith.constant 0 : i32
    return %c0_i32, %c0_i32_0 : i32, i32
  }
  func.func @transform_2(%arg0: i32, %arg1: i32) -> (i32, i32) {
    %c0_i32 = arith.constant 0 : i32
    %c0_i32_0 = arith.constant 0 : i32
    %c0_i32_1 = arith.constant 0 : i32
    return %c0_i32, %c0_i32_0 : i32, i32
  }
  func.func @transform_3(%arg0: i32, %arg1: i32) -> (i32, i32) {
    %c0_i32 = arith.constant 0 : i32
    %c0_i32_0 = arith.constant 0 : i32
    return %c0_i32, %arg1 : i32, i32
  }
  func.func @transform_4(%arg0: i32, %arg1: i32) -> (i32, i32) {
    %c0_i32 = arith.constant 0 : i32
    %c0_i32_0 = arith.constant 0 : i32
    return %c0_i32, %arg1 : i32, i32
  }
  func.func @transform_5(%arg0: i32, %arg1: i32) -> (i32, i32) {
    %c0_i32 = arith.constant 0 : i32
    %c0_i32_0 = arith.constant 0 : i32
    return %c0_i32, %arg1 : i32, i32
  }
  func.func @transform_6(%arg0: i32, %arg1: i32) -> (i32, i32) {
    %c0_i32 = arith.constant 0 : i32
    %c0_i32_0 = arith.constant 0 : i32
    return %c0_i32, %arg1 : i32, i32
  }
  func.func @transform_7(%arg0: i32, %arg1: i32) -> (i32, i32) {
    %c0_i32 = arith.constant 0 : i32
    %c0_i32_0 = arith.constant 0 : i32
    return %c0_i32, %arg1 : i32, i32
  }
  func.func @transform_8(%arg0: i32, %arg1: i32) -> (i32, i32) {
    %c0_i32 = arith.constant 0 : i32
    %c0_i32_0 = arith.constant 0 : i32
    return %c0_i32, %arg1 : i32, i32
  }
  func.func @transform_9(%arg0: i32, %arg1: i32) -> (i32, i32) {
    %c0_i32 = arith.constant 0 : i32
    %c0_i32_0 = arith.constant 0 : i32
    %c0_i32_1 = arith.constant 0 : i32
    return %c0_i32, %c0_i32_0 : i32, i32
  }
  func.func @transform_10(%arg0: i32, %arg1: i32) -> (i32, i32) {
    %c0_i32 = arith.constant 0 : i32
    %c0_i32_0 = arith.constant 0 : i32
    %c0_i32_1 = arith.constant 0 : i32
    return %c0_i32, %c0_i32_0 : i32, i32
  }
  func.func @transform_11(%arg0: i32, %arg1: i32) -> (i32, i32) {
    %c0_i32 = arith.constant 0 : i32
    %c0_i32_0 = arith.constant 0 : i32
    %c0_i32_1 = arith.constant 0 : i32
    return %c0_i32, %c0_i32_0 : i32, i32
  }
  func.func @transform_12(%arg0: i32, %arg1: i32) -> (i32, i32) {
    %c0_i32 = arith.constant 0 : i32
    %c0_i32_0 = arith.constant 0 : i32
    %c0_i32_1 = arith.constant 0 : i32
    return %c0_i32, %c0_i32_0 : i32, i32
  }
  func.func @transform_13(%arg0: i32, %arg1: i32) -> (i32, i32) {
    %c0_i32 = arith.constant 0 : i32
    %c0_i32_0 = arith.constant 0 : i32
    %c0_i32_1 = arith.constant 0 : i32
    return %c0_i32, %c0_i32_0 : i32, i32
  }
  func.func @transform_14(%arg0: i32, %arg1: i32) -> (i32, i32) {
    %c0_i32 = arith.constant 0 : i32
    %c0_i32_0 = arith.constant 0 : i32
    %c0_i32_1 = arith.constant 0 : i32
    return %c0_i32, %c0_i32_0 : i32, i32
  }
  func.func @transform_15(%arg0: i32, %arg1: i32) -> (i32, i32) {
    %c0_i32 = arith.constant 0 : i32
    %c0_i32_0 = arith.constant 0 : i32
    %c0_i32_1 = arith.constant 0 : i32
    return %c0_i32, %c0_i32_0 : i32, i32
  }
  func.func @transform_16(%arg0: i32, %arg1: i32) -> (i32, i32) {
    %c0_i32 = arith.constant 0 : i32
    %c0_i32_0 = arith.constant 0 : i32
    return %arg0, %c0_i32 : i32, i32
  }
}

</mosaic_0001>

<sc_bundles>
// kernel: kernel.4.cloned.1.call-start
scs
__scs_entry_jumppad:
0x0: {  	(pc) =	sbr.rel $0x88, $3  }
0x1: {  	(tag) =	ssettag $0x0;
	lr =	simm.s32 $0x1  }
0x2: {  	[smem:$0x3F8F] =	sst lr;
	_ =	strace $0xD0000000  }
0x3: {  	_ = 	snop  }
0x4: {  	_ = 	snop  }
0x5: {  	_ = 	snop  }
0x6: {  	_ = 	snop  }
0x7: {  	_ = 	snop  }
__scs_overlays_trampoline_lowered:
0x8: {  	[smem:$0x3F9E] =	sst s0  }
0x9: {  	[smem:$0x3F9F] =	sst s1  }
0xa: {  	[smem:$0x3FA0] =	sst s2  }
0xb: {  	[smem:$0x3FA1] =	sst s3  }
0xc: {  	[smem:$0x3FA2] =	sst s4  }
0xd: {  	[smem:$0x3FA3] =	sst s5  }
0xe: {  	[smem:$0x3FA4] =	sst s6  }
0xf: {  	[smem:$0x3FA5] =	sst s7  }
0x10: {  	[smem:$0x3FA6] =	sst s8  }
0x11: {  	[smem:$0x3FA7] =	sst s9;
	s0 =	simm.s32 @!p0 $0x0  }
0x12: {  	s1 =	sld [smem:$0x3F8D];
	s0 =	simm.s32 @p0 $0x1  }
0x13: {  	[smem:$0x3FA8] =	sst s0;
	s0 =	simm.s32 @!p1 $0x0  }
0x14: {  	s2 =	sld [smem:$0x3F8C];
	s0 =	simm.s32 @p1 $0x1  }
0x15: {  	[smem:$0x3FA9] =	sst s0;
	s0 =	simm.s32 @!p2 $0x0  }
0x16: {  	s3 =	sld [smem:$0x3FDB];
	s0 =	simm.s32 @p2 $0x1  }
0x17: {  	s4 =	simm.s32 $0x1BF5;
	[smem:$0x3FAB] =	sst s0  }
0x18: {  	s0 =	sld [smem:$0x3F8E];
	_ =	swait.ge [sflag:s4], $0x0  }
0x19: {  	s7 =	sld [smem:$0x3F8F]  }
0x1a: {  	s8 =	sadd.s32 $0xFFFFE003, lr  }
0x1b: {  	s9 =	sadd.s32 $0xFFFFFEF7, lr;
	s5 =	simm.s32 $0xFFFFFFFF;
	p2 =	slt.u32 s8, $0xFFFFF086  }
0x1c: {  	p1 =	slt.u32 s9, $0xF7A;
	s5 =	simm.s32 @!p2 $0x0  }
0x1d: {  	s5 =	simm.s32 @p1 $0x1;
	p0 =	seq.s32 s7, s2  }
0x1e: {  	s7 =	smul.u32 @!p0 $0xF7A, s2;
	p2 =	seq.s32 @!p0 s5, $0x0  }
0x1f: {  	s9 =	smul.u32 $0xF7A, s1;
	s8 =	simm.s32 @!p0 $0x1BF5;
	p2 =	por !p2, p0  }
0x20: {  	[sflag:s8] =	ssyncset.s32 @!p0 $0xFFFFF086;
	s6 =	sadd.s32 @!p0 s3, s7;
	s7 =	simm.s32 @!p0 $0x108  }
0x21: {  	s3 =	sadd.s32 s3, s9;
	s6 =	sadd.s32 @!p0 $0x88, s6;
	s7 =	simm.s32 @p2 $0x1082  }
0x22: {  	[simem:s7], [sflag:s8] =	dma.local @!p0 [hbm:s6], $0xF7A  }
0x23: {  	s9 =	sor.u32 $0xD0000000, s2;
	s6 =	simm.s32 $0x108;
	_ =	swait.ge @!p0 [sflag:s8], $0x0  }
0x24: {  	s3 =	sadd.s32 $0x88, s3;
	s6 =	simm.s32 @!p1 $0x1082;
	[sflag:s4] =	ssyncset.s32 $0xFFFFF086  }
0x25: {  	[simem:s6], [sflag:s4] =	dma.local [hbm:s3], $0xF7A  }
0x26: {  	[smem:$0x3F8F] =	sst s1;
	(tag) =	ssettag s2;
	_ =	strace s9  }
0x27: {  	s1 =	sld [smem:$0x3F9F]  }
0x28: {  	s2 =	sld [smem:$0x3FA0]  }
0x29: {  	s4 =	sld [smem:$0x3FA2]  }
0x2a: {  	p0 =	seq.s32 s5, $0x0;
	s5 =	sld [smem:$0x3FA3]  }
0x2b: {  	s6 =	sld [smem:$0x3FA4]  }
0x2c: {  	s7 =	sld [smem:$0x3FA5]  }
0x2d: {  	s3 =	simm.s32 $0x108;
	s8 =	sld [smem:$0x3FA6]  }
0x2e: {  	s3 =	simm.s32 @!p0 $0x1082;
	s9 =	sld [smem:$0x3FA7]  }
0x2f: {  	lr =	sadd.s32 s0, s3;
	s0 =	sld [smem:$0x3F9E]  }
0x30: {  	s3 =	sld [smem:$0x3FA1]  }
0x31: {  	[smem:$0x3FAA] =	sst s10  }
0x32: {  	s10 =	sld [smem:$0x3FA8];
	_ =	sdelay $0x3  }
0x33: {  	p0 =	seq.s32 s10, $0x1;
	s10 =	sld [smem:$0x3FAA];
	_ =	sdelay $0x3  }
0x34: {  	[smem:$0x3FAA] =	sst s10  }
0x35: {  	s10 =	sld [smem:$0x3FA9];
	_ =	sdelay $0x3  }
0x36: {  	p1 =	seq.s32 s10, $0x1;
	s10 =	sld [smem:$0x3FAA];
	_ =	sdelay $0x3  }
0x37: {  	[smem:$0x3FAA] =	sst s10  }
0x38: {  	s10 =	sld [smem:$0x3FAB]  }
0x39: {  	_ = 	snop;
	(pc) =	sbr.ind lr, $3  }
0x3a: {  	_ = 	snop  }
0x3b: {  	_ = 	snop  }
0x3c: {  	p2 =	seq.s32 s10, $0x1;
	s10 =	sld [smem:$0x3FAA]  }
0x3d: {  	_ =	shalt  }
0x3e: {  	_ =	shalt  }
0x3f: {  	_ =	shalt  }
0x40: {  	_ =	shalt  }
0x41: {  	_ =	shalt  }
0x42: {  	_ =	shalt  }
0x43: {  	_ =	shalt  }
0x44: {  	_ =	shalt  }
0x45: {  	_ =	shalt  }
0x46: {  	_ =	shalt  }
0x47: {  	_ =	shalt  }
0x48: {  	_ =	shalt  }
0x49: {  	_ =	shalt  }
0x4a: {  	_ =	shalt  }
0x4b: {  	_ =	shalt  }
0x4c: {  	_ =	shalt  }
0x4d: {  	_ =	shalt  }
0x4e: {  	_ =	shalt  }
0x4f: {  	_ =	shalt  }
0x50: {  	_ =	shalt  }
0x51: {  	_ =	shalt  }
0x52: {  	_ =	shalt  }
0x53: {  	_ =	shalt  }
0x54: {  	_ =	shalt  }
0x55: {  	_ =	shalt  }
0x56: {  	_ =	shalt  }
0x57: {  	_ =	shalt  }
0x58: {  	_ =	shalt  }
0x59: {  	_ =	shalt  }
0x5a: {  	_ =	shalt  }
0x5b: {  	_ =	shalt  }
0x5c: {  	_ =	shalt  }
0x5d: {  	_ =	shalt  }
0x5e: {  	_ =	shalt  }
0x5f: {  	_ =	shalt  }
0x60: {  	_ =	shalt  }
0x61: {  	_ =	shalt  }
0x62: {  	_ =	shalt  }
0x63: {  	_ =	shalt  }
0x64: {  	_ =	shalt  }
0x65: {  	_ =	shalt  }
0x66: {  	_ =	shalt  }
0x67: {  	_ =	shalt  }
0x68: {  	_ =	shalt  }
0x69: {  	_ =	shalt  }
0x6a: {  	_ =	shalt  }
0x6b: {  	_ =	shalt  }
0x6c: {  	_ =	shalt  }
0x6d: {  	_ =	shalt  }
0x6e: {  	_ =	shalt  }
0x6f: {  	_ =	shalt  }
0x70: {  	_ =	shalt  }
0x71: {  	_ =	shalt  }
0x72: {  	_ =	shalt  }
0x73: {  	_ =	shalt  }
0x74: {  	_ =	shalt  }
0x75: {  	_ =	shalt  }
0x76: {  	_ =	shalt  }
0x77: {  	_ =	shalt  }
0x78: {  	_ =	shalt  }
0x79: {  	_ =	shalt  }
0x7a: {  	_ =	shalt  }
0x7b: {  	_ =	shalt  }
0x7c: {  	_ =	shalt  }
0x7d: {  	_ =	shalt  }
0x7e: {  	_ =	shalt  }
0x7f: {  	_ =	shalt  }
0x80: {  	_ =	shalt  }
0x81: {  	_ =	shalt  }
0x82: {  	_ =	shalt  }
0x83: {  	_ =	shalt  }
0x84: {  	_ =	shalt  }
0x85: {  	_ =	shalt  }
0x86: {  	_ =	shalt  }
0x87: {  	_ =	shalt  }
.Lfunc_end0:
.L_simem_size_0:
called_computation_lowered:
.L_overlay_start_0:
0x88: {  	s0 =	sld [smem:$0x3FD9]  }
0x89: {  	s1 =	sld [smem:$0x3FFE];
	_ =	sdelay $0x3  }
0x8a: {  	s0 =	sadd.s32 s1, s0  }
0x8b: {  	[smem:$0x3FB6] =	sst s0  }
0x8c: {  	_ = 	snop  }
0x8d: {  	s0 =	sld [smem:$0x3FC8]  }
0x8e: {  	s16 =	sld [smem:$0x3FC7]  }
0x8f: {  	s2 =	sld [smem:$0x3FC6]  }
0x90: {  	s3 =	sld [smem:$0x3FC5]  }
0x91: {  	s4 =	sld [smem:$0x3FC4]  }
0x92: {  	s5 =	sld [smem:$0x3FC2];
	(tm) =	ssettm $0x1  }
0x93: {  	s6 =	sld [smem:$0x3FFB];
	_ =	sdelay $0x3  }
0x94: {  	_ =	strace s6  }
0x95: {  	s6 =	sld [smem:$0x3FFC];
	_ =	sdelay $0x3  }
0x96: {  	_ =	strace s6  }
0x97: {  	s6 =	sld [smem:$0x3FFD];
	_ =	sdelay $0x3  }
0x98: {  	_ =	strace s6  }
0x99: {  	_ =	strace $0x8FFFFFFF  }
0x9a: {  	s17 =	sld [smem:$0x3FDB];
	_ =	sdelay $0x1  }
0x9b: {  	s7 =	simm.s32 $_scs_section_size  }
0x9c: {  	s8 =	simm.s32 $_size__tile_overlayer_lowered;
	s9 =	simm.s32 $_tile_overlayer_lowered  }
0x9d: {  	s20 =	simm.s32 $0x1BFF;
	s19 =	sshll.u32 s9, $0x1;
	s6 =	sadd.s32 s7, s17  }
0x9e: {  	s10 =	simm.s32 $0x0;
	s18 =	sshll.u32 s8, $0x1;
	s8 =	sadd.s32 s19, s6  }
0x9f: {  	[timem:s10], [sflag:s20] =	dma.local [hbm:s8], s18  }
0xa0: {  	_ =	swait.ge [sflag:s20], s18  }
0xa1: {  	s7 =	ssub.s32 $0x0, s18;
	[sflag:s20] =	ssyncset.done $0x0  }
0xa2: {  	[sflag:s20] =	ssyncadd.s32 s7;
	_ =	sdelay $0x1  }
0xa3: {  	s21 =	simm.s32 $0x1B8B  }
0xa4: {  	_ =	swait.ge [sflag:s21], $0x1  }
0xa5: {  	[sflag:s21] =	ssyncset.done $0x0  }
0xa6: {  	s23 =	simm.s32 $0x1B8E;
	s22 =	sld [smem:$0x3FFE];
	[sflag:s21] =	ssyncadd.s32 $0xFFFFFFFF  }
0xa7: {  	s24 =	simm.s32 $execute0_lowered;
	[smem:$0x3FD2] =	sst s23  }
0xa8: {  	s8 =	sshll.u32 s24, $0x1;
	_ =	strace $0x80000046;
	[dreg:$0x1] =	wrdreg $0xFFFFFFFF  }
0xa9: {  	s25 =	simm.s32 $_size_execute0_lowered;
	s6 =	sadd.s32 s6, s8;
	[dreg:$0x0] =	wrdreg $0x0  }
0xaa: {  	s8 =	sshll.u32 s25, $0x1;
	[dreg:$0x2] =	wrdreg s6  }
0xab: {  	[dreg:$0x3] =	wrdreg s8  }
0xac: {  	[dreg:$0x4] =	wrdreg $0xC0  }
0xad: {  	_ =	task [dreg:s10], $0x5FFFF  }
0xae: {  	[dreg:$0x1] =	wrdreg $0xFFFFFFFF  }
0xaf: {  	[dreg:$0x0] =	wrdreg $0x60  }
0xb0: {  	[dreg:$0x2] =	wrdreg s0  }
0xb1: {  	[dreg:$0x3] =	wrdreg s16  }
0xb2: {  	[dreg:$0x4] =	wrdreg s4  }
0xb3: {  	[dreg:$0x5] =	wrdreg s5  }
0xb4: {  	[dreg:$0x6] =	wrdreg s2  }
0xb5: {  	[dreg:$0x7] =	wrdreg s3  }
0xb6: {  	[dreg:$0x8] =	wrdreg s22  }
0xb7: {  	[dreg:$0x9] =	wrdreg $0x9  }
0xb8: {  	_ =	task.clear_ibuf [dreg:s10], $0xAFFFF;
	_ =	strace $0x90000046  }
0xb9: {  	s26 =	simm.s32 $0x9;
	_ =	strace $0x80000048  }
0xba: {  	_ =	swait.ge [sflag:s26], $0x1  }
0xbb: {  	[sflag:s26] =	ssyncadd.s32 $0xFFFFFFFF  }
0xbc: {  	_ =	strace $0x90000048  }
0xbd: {  	_ =	sfence  }
0xbe: {  	s28 =	sld [smem:$0x0];
	_ =	sdelay $0x1  }
0xbf: {  	s29 =	srdreg.scid  }
0xc0: {  	s30 =	sshll.u32 s29, $0xD;
	s31 =	sshrl.u32 s29, $0x2  }
0xc1: {  	s1 =	sand.u32 $0x1, s29;
	s2 =	sand.u32 $0x4000, s30;
	s0 =	sadd.s32 s31, s28  }
0xc2: {  	s1 =	sor.u32 s2, s1;
	s0 =	sshll.u32 s0, $0x11  }
0xc3: {  	s0 =	sor.u32 s0, s1  }
0xc4: {  	s0 =	sadd.s32 $0x8F2B, s0  }
0xc5: {  	[sflag:s0] =	ssyncadd.remote.s32 $0x1  }
0xc6: {  	_ =	sfence.sel $0xFFFF  }
0xc7: {  	[dreg:$0x0] =	wrdreg $0xFFFFFFFF;
	(pc) =	sbr.abs _section_cstart, $3  }
0xc8: {  	[dreg:$0x1] =	wrdreg $0xFFFFFFFF  }
0xc9: {  	_ =	task.clear_ibuf [dreg:s10], $0x2FFFF;
	_ =	strace $0x9FFFFFFF  }
0xca: {  	(tm) =	ssettm $0x7FFFFFFF  }
0xcb: {  	_ =	shalt  }
tec
execute0_lowered:
.L_overlay_start_1:
0x0: {  	(tag) =	ssettag $0x1  }
0x1: {  	s11 =	rddreg [dreg:$0x0]  }
0x2: {  	s6 =	rddreg [dreg:$0x1]  }
0x3: {  	s3 =	rddreg [dreg:$0x2]  }
0x4: {  	s9 =	rddreg [dreg:$0x3]  }
0x5: {  	s8 =	rddreg [dreg:$0x4]  }
0x6: {  	s7 =	rddreg [dreg:$0x5]  }
0x7: {  	s4 =	rddreg [dreg:$0x6];
	s2 =	simm.s32 $0x0;
	s1 =	stileid.u32  }
0x8: {  	[smem:$0x7FF] =	sst s2;
	s5 =	sshll.u32 s1, $0x4  }
0x9: {  	s0 =	rddreg [dreg:$0x7];
	_ =	strace $0x80000047;
	s3 =	sadd.s32 s3, s5  }
0xa: {  	[tilespmem:s2], [sflag:$0x5] =	stream.linear.gather [hbm4b:s3+s2], $0x80, $0x38;
	[tilespmem:$0x10200] =	vst v63  }
0xb: {  	s3 =	simm.s32 $0x5  }
0xc: {  	_ =	swait.ge [sflag:s3], $0x80  }
0xd: {  	[sflag:s3] =	ssyncset.done $0x0  }
0xe: {  	s10 =	simm.s32 $0x80;
	s9 =	sadd.s32 s9, s5;
	[sflag:s3] =	ssyncadd.s32 $0xFFFFFF80  }
0xf: {  	[tilespmem:s10], [sflag:$0x5] =	stream.linear.gather [hbm4b:s9+s2], $0x80, $0x38;
	[tilespmem:$0x10200] =	vst v63  }
0x10: {  	_ =	swait.ge [sflag:s3], $0x80  }
0x11: {  	[sflag:s3] =	ssyncset.done $0x0  }
0x12: {  	[sflag:s3] =	ssyncadd.s32 $0xFFFFFF80  }
0x13: {  	v0 =	vld [tilespmem:$0x0];
	_ =	sdelay $0x4  }
0x14: {  	v1 =	vshll.u32 v0, $0x1  }
0x15: {  	v2 =	vlaneseq.u32;
	v0 =	vand.u32 $0x7, v0;
	v1 =	vand.u32 $0xFFFFFFF0, v1  }
0x16: {  	v47 =	vand.u32 $0x7, v2;
	v48 =	vshrl.u32 v2, $0x3;
	v3 =	vor.u32 v0, v1  }
0x17: {  	v1 =	vmul.u32 $0x8, v48;
	v4 =	vperm.xlane v3, v47  }
0x18: {  	v2 =	vor.u32 $0x8, v2  }
0x19: {  	v3 =	vperm.xlane v3, v2;
	v4 =	vadd.s32 v1, v4;
	_ =	sdelay $0x1  }
0x1a: {  	v3 =	vadd.s32 v1, v3;
	_ =	sdelay $0x1  }
0x1b: {  	vm0 =	vmmov $0xffff;
	s9 =	simm.s32 $0x100  }
0x1c: {  	[tilespmem:s9], [sflag:$0x1] =	stream.indirect_vreg.gather [hbm4b:s11+s2], $0x80, v4, vm0, $0xb8;
	[tilespmem:$0x10200] =	vst v63  }
0x1d: {  	s12 =	simm.s32 $0x900  }
0x1e: {  	[tilespmem:s12], [sflag:$0x1] =	stream.indirect_vreg.gather [hbm4b:s11+s2], $0x80, v3, vm0, $0xb8;
	[tilespmem:$0x10200] =	vst v63  }
0x1f: {  	v3 =	vld [tilespmem:$0x10];
	_ =	sdelay $0x4  }
0x20: {  	v49 =	vshll.u32 v3, $0x1  }
0x21: {  	v3 =	vand.u32 $0x7, v3;
	v4 =	vand.u32 $0xFFFFFFF0, v49  }
0x22: {  	v3 =	vor.u32 v3, v4  }
0x23: {  	v4 =	vperm.xlane v3, v47;
	_ =	sdelay $0x1  }
0x24: {  	v3 =	vperm.xlane v3, v2;
	v4 =	vadd.s32 v1, v4;
	_ =	sdelay $0x1  }
0x25: {  	v3 =	vadd.s32 v1, v3;
	_ =	sdelay $0x1  }
0x26: {  	s31 =	simm.s32 $0x1100  }
0x27: {  	[tilespmem:s31], [sflag:$0x1] =	stream.indirect_vreg.gather [hbm4b:s11+s2], $0x80, v4, vm0, $0xb8;
	[tilespmem:$0x10200] =	vst v63  }
0x28: {  	s13 =	simm.s32 $0x1900  }
0x29: {  	[tilespmem:s13], [sflag:$0x1] =	stream.indirect_vreg.gather [hbm4b:s11+s2], $0x80, v3, vm0, $0xb8;
	[tilespmem:$0x10200] =	vst v63  }
0x2a: {  	v3 =	vld [tilespmem:$0x20];
	_ =	sdelay $0x4  }
0x2b: {  	v50 =	vshll.u32 v3, $0x1  }
0x2c: {  	v3 =	vand.u32 $0x7, v3;
	v4 =	vand.u32 $0xFFFFFFF0, v50  }
0x2d: {  	v3 =	vor.u32 v3, v4  }
0x2e: {  	v4 =	vperm.xlane v3, v47;
	_ =	sdelay $0x1  }
0x2f: {  	v3 =	vperm.xlane v3, v2;
	v4 =	vadd.s32 v1, v4;
	_ =	sdelay $0x1  }
0x30: {  	v3 =	vadd.s32 v1, v3;
	_ =	sdelay $0x1  }
0x31: {  	s14 =	simm.s32 $0x2100  }
0x32: {  	[tilespmem:s14], [sflag:$0x1] =	stream.indirect_vreg.gather [hbm4b:s11+s2], $0x80, v4, vm0, $0xb8;
	[tilespmem:$0x10200] =	vst v63  }
0x33: {  	s15 =	simm.s32 $0x2900  }
0x34: {  	[tilespmem:s15], [sflag:$0x1] =	stream.indirect_vreg.gather [hbm4b:s11+s2], $0x80, v3, vm0, $0xb8;
	[tilespmem:$0x10200] =	vst v63  }
0x35: {  	v3 =	vld [tilespmem:$0x30];
	_ =	sdelay $0x4  }
0x36: {  	v51 =	vshll.u32 v3, $0x1  }
0x37: {  	v3 =	vand.u32 $0x7, v3;
	v4 =	vand.u32 $0xFFFFFFF0, v51  }
0x38: {  	v3 =	vor.u32 v3, v4  }
0x39: {  	v4 =	vperm.xlane v3, v47;
	_ =	sdelay $0x1  }
0x3a: {  	v3 =	vperm.xlane v3, v2;
	v4 =	vadd.s32 v1, v4;
	_ =	sdelay $0x1  }
0x3b: {  	v3 =	vadd.s32 v1, v3;
	_ =	sdelay $0x1  }
0x3c: {  	s16 =	simm.s32 $0x3100  }
0x3d: {  	[tilespmem:s16], [sflag:$0x1] =	stream.indirect_vreg.gather [hbm4b:s11+s2], $0x80, v4, vm0, $0xb8;
	[tilespmem:$0x10200] =	vst v63  }
0x3e: {  	s17 =	simm.s32 $0x3900  }
0x3f: {  	[tilespmem:s17], [sflag:$0x1] =	stream.indirect_vreg.gather [hbm4b:s11+s2], $0x80, v3, vm0, $0xb8;
	[tilespmem:$0x10200] =	vst v63  }
0x40: {  	v3 =	vld [tilespmem:$0x40];
	_ =	sdelay $0x4  }
0x41: {  	v52 =	vshll.u32 v3, $0x1  }
0x42: {  	v3 =	vand.u32 $0x7, v3;
	v4 =	vand.u32 $0xFFFFFFF0, v52  }
0x43: {  	v3 =	vor.u32 v3, v4  }
0x44: {  	v4 =	vperm.xlane v3, v47;
	_ =	sdelay $0x1  }
0x45: {  	v3 =	vperm.xlane v3, v2;
	v4 =	vadd.s32 v1, v4;
	_ =	sdelay $0x1  }
0x46: {  	v3 =	vadd.s32 v1, v3;
	_ =	sdelay $0x1  }
0x47: {  	s18 =	simm.s32 $0x4100  }
0x48: {  	[tilespmem:s18], [sflag:$0x1] =	stream.indirect_vreg.gather [hbm4b:s11+s2], $0x80, v4, vm0, $0xb8;
	[tilespmem:$0x10200] =	vst v63  }
0x49: {  	s19 =	simm.s32 $0x4900  }
0x4a: {  	[tilespmem:s19], [sflag:$0x1] =	stream.indirect_vreg.gather [hbm4b:s11+s2], $0x80, v3, vm0, $0xb8;
	[tilespmem:$0x10200] =	vst v63  }
0x4b: {  	v3 =	vld [tilespmem:$0x50];
	_ =	sdelay $0x4  }
0x4c: {  	v53 =	vshll.u32 v3, $0x1  }
0x4d: {  	v3 =	vand.u32 $0x7, v3;
	v4 =	vand.u32 $0xFFFFFFF0, v53  }
0x4e: {  	v3 =	vor.u32 v3, v4  }
0x4f: {  	v4 =	vperm.xlane v3, v47;
	_ =	sdelay $0x1  }
0x50: {  	v3 =	vperm.xlane v3, v2;
	v4 =	vadd.s32 v1, v4;
	_ =	sdelay $0x1  }
0x51: {  	v3 =	vadd.s32 v1, v3;
	_ =	sdelay $0x1  }
0x52: {  	s20 =	simm.s32 $0x5100  }
0x53: {  	[tilespmem:s20], [sflag:$0x1] =	stream.indirect_vreg.gather [hbm4b:s11+s2], $0x80, v4, vm0, $0xb8;
	[tilespmem:$0x10200] =	vst v63  }
0x54: {  	s21 =	simm.s32 $0x5900  }
0x55: {  	[tilespmem:s21], [sflag:$0x1] =	stream.indirect_vreg.gather [hbm4b:s11+s2], $0x80, v3, vm0, $0xb8;
	[tilespmem:$0x10200] =	vst v63  }
0x56: {  	v3 =	vld [tilespmem:$0x60];
	_ =	sdelay $0x4  }
0x57: {  	v54 =	vshll.u32 v3, $0x1  }
0x58: {  	v3 =	vand.u32 $0x7, v3;
	v4 =	vand.u32 $0xFFFFFFF0, v54  }
0x59: {  	v3 =	vor.u32 v3, v4  }
0x5a: {  	v4 =	vperm.xlane v3, v47;
	_ =	sdelay $0x1  }
0x5b: {  	v3 =	vperm.xlane v3, v2;
	v4 =	vadd.s32 v1, v4;
	_ =	sdelay $0x1  }
0x5c: {  	v3 =	vadd.s32 v1, v3;
	_ =	sdelay $0x1  }
0x5d: {  	s22 =	simm.s32 $0x6100  }
0x5e: {  	[tilespmem:s22], [sflag:$0x1] =	stream.indirect_vreg.gather [hbm4b:s11+s2], $0x80, v4, vm0, $0xb8;
	[tilespmem:$0x10200] =	vst v63  }
0x5f: {  	s23 =	simm.s32 $0x6900  }
0x60: {  	[tilespmem:s23], [sflag:$0x1] =	stream.indirect_vreg.gather [hbm4b:s11+s2], $0x80, v3, vm0, $0xb8;
	[tilespmem:$0x10200] =	vst v63  }
0x61: {  	v3 =	vld [tilespmem:$0x70];
	_ =	sdelay $0x4  }
0x62: {  	v55 =	vshll.u32 v3, $0x1  }
0x63: {  	v3 =	vand.u32 $0x7, v3;
	v4 =	vand.u32 $0xFFFFFFF0, v55  }
0x64: {  	v3 =	vor.u32 v3, v4  }
0x65: {  	v4 =	vperm.xlane v3, v47;
	_ =	sdelay $0x1  }
0x66: {  	v3 =	vperm.xlane v3, v2;
	v4 =	vadd.s32 v1, v4;
	_ =	sdelay $0x1  }
0x67: {  	v3 =	vadd.s32 v1, v3;
	_ =	sdelay $0x1  }
0x68: {  	s24 =	simm.s32 $0x7100  }
0x69: {  	[tilespmem:s24], [sflag:$0x1] =	stream.indirect_vreg.gather [hbm4b:s11+s2], $0x80, v4, vm0, $0xb8;
	[tilespmem:$0x10200] =	vst v63  }
0x6a: {  	s25 =	simm.s32 $0x7900  }
0x6b: {  	[tilespmem:s25], [sflag:$0x1] =	stream.indirect_vreg.gather [hbm4b:s11+s2], $0x80, v3, vm0, $0xb8;
	[tilespmem:$0x10200] =	vst v63  }
0x6c: {  	v3 =	vld [tilespmem:$0x0];
	_ =	sdelay $0x4  }
0x6d: {  	v56 =	vshll.u32 v3, $0x1  }
0x6e: {  	v3 =	vand.u32 $0x7, v3;
	v4 =	vand.u32 $0xFFFFFFF0, v56  }
0x6f: {  	v3 =	vor.u32 v3, v4  }
0x70: {  	v4 =	vperm.xlane v3, v47;
	_ =	sdelay $0x1  }
0x71: {  	v3 =	vperm.xlane v3, v2;
	v4 =	vadd.s32 v1, v4;
	_ =	sdelay $0x1  }
0x72: {  	v3 =	vadd.s32 v1, v3;
	_ =	sdelay $0x1  }
0x73: {  	s11 =	simm.s32 $0x8100  }
0x74: {  	[tilespmem:s11], [sflag:$0x2] =	stream.indirect_vreg.gather [hbm4b:s6+s2], $0x80, v4, vm0, $0xb8;
	[tilespmem:$0x10200] =	vst v63  }
0x75: {  	s26 =	simm.s32 $0x8900  }
0x76: {  	[tilespmem:s26], [sflag:$0x2] =	stream.indirect_vreg.gather [hbm4b:s6+s2], $0x80, v3, vm0, $0xb8;
	[tilespmem:$0x10200] =	vst v63  }
0x77: {  	v3 =	vld [tilespmem:$0x10];
	_ =	sdelay $0x4  }
0x78: {  	v57 =	vshll.u32 v3, $0x1  }
0x79: {  	v3 =	vand.u32 $0x7, v3;
	v4 =	vand.u32 $0xFFFFFFF0, v57  }
0x7a: {  	v3 =	vor.u32 v3, v4  }
0x7b: {  	v4 =	vperm.xlane v3, v47;
	_ =	sdelay $0x1  }
0x7c: {  	v3 =	vperm.xlane v3, v2;
	v4 =	vadd.s32 v1, v4;
	_ =	sdelay $0x1  }
0x7d: {  	v3 =	vadd.s32 v1, v3;
	_ =	sdelay $0x1  }
0x7e: {  	s28 =	simm.s32 $0x9100  }
0x7f: {  	[tilespmem:s28], [sflag:$0x2] =	stream.indirect_vreg.gather [hbm4b:s6+s2], $0x80, v4, vm0, $0xb8;
	[tilespmem:$0x10200] =	vst v63  }
0x80: {  	s29 =	simm.s32 $0x9900  }
0x81: {  	[tilespmem:s29], [sflag:$0x2] =	stream.indirect_vreg.gather [hbm4b:s6+s2], $0x80, v3, vm0, $0xb8;
	[tilespmem:$0x10200] =	vst v63  }
0x82: {  	v3 =	vld [tilespmem:$0x20];
	_ =	sdelay $0x4  }
0x83: {  	v58 =	vshll.u32 v3, $0x1  }
0x84: {  	v3 =	vand.u32 $0x7, v3;
	v4 =	vand.u32 $0xFFFFFFF0, v58  }
0x85: {  	v3 =	vor.u32 v3, v4  }
0x86: {  	v4 =	vperm.xlane v3, v47;
	_ =	sdelay $0x1  }
0x87: {  	v3 =	vperm.xlane v3, v2;
	v4 =	vadd.s32 v1, v4;
	_ =	sdelay $0x1  }
0x88: {  	v3 =	vadd.s32 v1, v3;
	_ =	sdelay $0x1  }
0x89: {  	s30 =	simm.s32 $0xA100  }
0x8a: {  	[tilespmem:s30], [sflag:$0x2] =	stream.indirect_vreg.gather [hbm4b:s6+s2], $0x80, v4, vm0, $0xb8;
	[tilespmem:$0x10200] =	vst v63  }
0x8b: {  	s31 =	simm.s32 $0xA900  }
0x8c: {  	[tilespmem:s31], [sflag:$0x2] =	stream.indirect_vreg.gather [hbm4b:s6+s2], $0x80, v3, vm0, $0xb8;
	[tilespmem:$0x10200] =	vst v63  }
0x8d: {  	v3 =	vld [tilespmem:$0x30];
	_ =	sdelay $0x4  }
0x8e: {  	v59 =	vshll.u32 v3, $0x1  }
0x8f: {  	v3 =	vand.u32 $0x7, v3;
	v4 =	vand.u32 $0xFFFFFFF0, v59  }
0x90: {  	v3 =	vor.u32 v3, v4  }
0x91: {  	v4 =	vperm.xlane v3, v47;
	_ =	sdelay $0x1  }
0x92: {  	v3 =	vperm.xlane v3, v2;
	v4 =	vadd.s32 v1, v4;
	_ =	sdelay $0x1  }
0x93: {  	v3 =	vadd.s32 v1, v3;
	_ =	sdelay $0x1  }
0x94: {  	s13 =	simm.s32 $0xB100  }
0x95: {  	[tilespmem:s13], [sflag:$0x2] =	stream.indirect_vreg.gather [hbm4b:s6+s2], $0x80, v4, vm0, $0xb8;
	[tilespmem:$0x10200] =	vst v63  }
0x96: {  	s14 =	simm.s32 $0xB900  }
0x97: {  	[tilespmem:s14], [sflag:$0x2] =	stream.indirect_vreg.gather [hbm4b:s6+s2], $0x80, v3, vm0, $0xb8;
	[tilespmem:$0x10200] =	vst v63  }
0x98: {  	v3 =	vld [tilespmem:$0x40];
	_ =	sdelay $0x4  }
0x99: {  	v60 =	vshll.u32 v3, $0x1  }
0x9a: {  	v3 =	vand.u32 $0x7, v3;
	v4 =	vand.u32 $0xFFFFFFF0, v60  }
0x9b: {  	v3 =	vor.u32 v3, v4  }
0x9c: {  	v4 =	vperm.xlane v3, v47;
	_ =	sdelay $0x1  }
0x9d: {  	v3 =	vperm.xlane v3, v2;
	v4 =	vadd.s32 v1, v4;
	_ =	sdelay $0x1  }
0x9e: {  	v3 =	vadd.s32 v1, v3;
	_ =	sdelay $0x1  }
0x9f: {  	s15 =	simm.s32 $0xC100  }
0xa0: {  	[tilespmem:s15], [sflag:$0x2] =	stream.indirect_vreg.gather [hbm4b:s6+s2], $0x80, v4, vm0, $0xb8;
	[tilespmem:$0x10200] =	vst v63  }
0xa1: {  	s16 =	simm.s32 $0xC900  }
0xa2: {  	[tilespmem:s16], [sflag:$0x2] =	stream.indirect_vreg.gather [hbm4b:s6+s2], $0x80, v3, vm0, $0xb8;
	[tilespmem:$0x10200] =	vst v63  }
0xa3: {  	v3 =	vld [tilespmem:$0x50];
	_ =	sdelay $0x4  }
0xa4: {  	v61 =	vshll.u32 v3, $0x1  }
0xa5: {  	v3 =	vand.u32 $0x7, v3;
	v4 =	vand.u32 $0xFFFFFFF0, v61  }
0xa6: {  	v3 =	vor.u32 v3, v4  }
0xa7: {  	v4 =	vperm.xlane v3, v47;
	_ =	sdelay $0x1  }
0xa8: {  	v3 =	vperm.xlane v3, v2;
	v4 =	vadd.s32 v1, v4;
	_ =	sdelay $0x1  }
0xa9: {  	v3 =	vadd.s32 v1, v3;
	_ =	sdelay $0x1  }
0xaa: {  	s17 =	simm.s32 $0xD100  }
0xab: {  	[tilespmem:s17], [sflag:$0x2] =	stream.indirect_vreg.gather [hbm4b:s6+s2], $0x80, v4, vm0, $0xb8;
	[tilespmem:$0x10200] =	vst v63  }
0xac: {  	s18 =	simm.s32 $0xD900  }
0xad: {  	[tilespmem:s18], [sflag:$0x2] =	stream.indirect_vreg.gather [hbm4b:s6+s2], $0x80, v3, vm0, $0xb8;
	[tilespmem:$0x10200] =	vst v63  }
0xae: {  	v3 =	vld [tilespmem:$0x60];
	_ =	sdelay $0x4  }
0xaf: {  	v62 =	vshll.u32 v3, $0x1  }
0xb0: {  	v3 =	vand.u32 $0x7, v3;
	v4 =	vand.u32 $0xFFFFFFF0, v62  }
0xb1: {  	v3 =	vor.u32 v3, v4  }
0xb2: {  	v4 =	vperm.xlane v3, v47;
	_ =	sdelay $0x1  }
0xb3: {  	v3 =	vperm.xlane v3, v2;
	v4 =	vadd.s32 v1, v4;
	_ =	sdelay $0x1  }
0xb4: {  	v3 =	vadd.s32 v1, v3;
	_ =	sdelay $0x1  }
0xb5: {  	s19 =	simm.s32 $0xE100  }
0xb6: {  	[tilespmem:s19], [sflag:$0x2] =	stream.indirect_vreg.gather [hbm4b:s6+s2], $0x80, v4, vm0, $0xb8;
	[tilespmem:$0x10200] =	vst v63  }
0xb7: {  	s20 =	simm.s32 $0xE900  }
0xb8: {  	[tilespmem:s20], [sflag:$0x2] =	stream.indirect_vreg.gather [hbm4b:s6+s2], $0x80, v3, vm0, $0xb8;
	[tilespmem:$0x10200] =	vst v63  }
0xb9: {  	v3 =	vld [tilespmem:$0x70];
	_ =	sdelay $0x4  }
0xba: {  	v63 =	vshll.u32 v3, $0x1  }
0xbb: {  	v3 =	vand.u32 $0x7, v3;
	v4 =	vand.u32 $0xFFFFFFF0, v63  }
0xbc: {  	v3 =	vor.u32 v3, v4  }
0xbd: {  	v0 =	vperm.xlane v3, v47;
	_ =	sdelay $0x1  }
0xbe: {  	v2 =	vperm.xlane v3, v2;
	v0 =	vadd.s32 v1, v0;
	_ =	sdelay $0x1  }
0xbf: {  	v1 =	vadd.s32 v1, v2;
	_ =	sdelay $0x1  }
0xc0: {  	s21 =	simm.s32 $0xF100  }
0xc1: {  	[tilespmem:s21], [sflag:$0x2] =	stream.indirect_vreg.gather [hbm4b:s6+s2], $0x80, v0, vm0, $0xb8;
	[tilespmem:$0x10200] =	vst v63  }
0xc2: {  	s22 =	simm.s32 $0xF900  }
0xc3: {  	[tilespmem:s22], [sflag:$0x2] =	stream.indirect_vreg.gather [hbm4b:s6+s2], $0x80, v1, vm0, $0xb8;
	[tilespmem:$0x10200] =	vst v63  }
0xc4: {  	s23 =	simm.s32 $0x10100  }
0xc5: {  	[tilespmem:s23], [sflag:$0x3] =	stream.indirect.gather [hbm4b:s8+s10], $0x1, s10, s10, $0xb8;
	[tilespmem:$0x10200] =	vst v63  }
0xc6: {  	s24 =	simm.s32 $0x10180;
	s25 =	simm.s32 $0x3  }
0xc7: {  	[tilespmem:s24], [sflag:$0x4] =	stream.indirect.gather [hbm4b:s7+s10], $0x1, s10, s10, $0xb8;
	[tilespmem:$0x10200] =	vst v63  }
0xc8: {  	_ =	swait.ge [sflag:s25], $0x80  }
0xc9: {  	[sflag:s25] =	ssyncset.done $0x0  }
0xca: {  	s26 =	simm.s32 $0x4;
	[sflag:s25] =	ssyncadd.s32 $0xFFFFFF80  }
0xcb: {  	_ =	swait.ge [sflag:s26], $0x80  }
0xcc: {  	s5 =	sadd.s32 s5, s4;
	[sflag:s26] =	ssyncset.done $0x0  }
0xcd: {  	s28 =	sadd.s32 $0x20800, s5;
	[sflag:s26] =	ssyncadd.s32 $0xFFFFFF80  }
0xce: {  	[hbm4b:s28+s2] =	stream.linear.scatter [tilespmem:s23], [sflag:$0x5], $0x80, $0x38;
	[tilespmem:$0x10200] =	vst v63  }
0xcf: {  	_ =	swait.ge [sflag:s3], $0x80  }
0xd0: {  	[sflag:s3] =	ssyncset.done $0x0  }
0xd1: {  	s5 =	sadd.s32 $0x20A00, s5;
	[sflag:s3] =	ssyncadd.s32 $0xFFFFFF80  }
0xd2: {  	[hbm4b:s5+s2] =	stream.linear.scatter [tilespmem:s24], [sflag:$0x5], $0x80, $0x38;
	[tilespmem:$0x10200] =	vst v63  }
0xd3: {  	_ =	swait.ge [sflag:s3], $0x80  }
0xd4: {  	[sflag:s3] =	ssyncset.done $0x0  }
0xd5: {  	s29 =	simm.s32 $0x1;
	[sflag:s3] =	ssyncadd.s32 $0xFFFFFF80  }
0xd6: {  	_ =	swait.ge [sflag:s29], $0x8000  }
0xd7: {  	[sflag:s29] =	ssyncset.done $0x0  }
0xd8: {  	s30 =	simm.s32 $0x2;
	[sflag:s29] =	ssyncadd.s32 $0xFFFF8000  }
0xd9: {  	s31 =	sshll.u32 s1, $0xC;
	_ =	swait.ge [sflag:s30], $0x8000  }
0xda: {  	s4 =	sadd.s32 s31, s4;
	[sflag:s30] =	ssyncset.done $0x0  }
0xdb: {  	s6 =	sadd.s32 $0x800, s4;
	[sflag:s30] =	ssyncadd.s32 $0xFFFF8000  }
0xdc: {  	[hbm4b:s6+s2] =	stream.linear.scatter [tilespmem:s9], [sflag:$0x5], $0x8000, $0x38;
	[tilespmem:$0x10200] =	vst v63  }
0xdd: {  	_ =	swait.ge [sflag:s3], $0x8000  }
0xde: {  	[sflag:s3] =	ssyncset.done $0x0  }
0xdf: {  	s4 =	sadd.s32 $0x10800, s4;
	[sflag:s3] =	ssyncadd.s32 $0xFFFF8000  }
0xe0: {  	[hbm4b:s4+s2] =	stream.linear.scatter [tilespmem:s11], [sflag:$0x5], $0x8000, $0x38;
	[tilespmem:$0x10200] =	vst v63  }
0xe1: {  	_ =	swait.ge [sflag:s3], $0x8000  }
0xe2: {  	[sflag:s3] =	ssyncset.done $0x0  }
0xe3: {  	[sflag:s3] =	ssyncadd.s32 $0xFFFF8000  }
0xe4: {  	_ =	sfence.sel $0x180000  }
0xe5: {  	[bflag:$0x0] =	sbarrier.arrive $0xFFFF  }
0xe6: {  	p0 =	sne.s32 s1, $0x0;
	_ =	strace $0x90000047  }
0xe7: {  	s0 =	sadd.s32 @!p0 $0x100000, s0;
	[bflag:$0x2] =	sbarrier.arrive $0xFFFF  }
0xe8: {  	[sflag:s0] =	ssyncadd.tile.s32 @!p0 $0x1;
	_ =	shalt  }
.Lfunc_end2:
_tile_overlayer_lowered:
.L_overlay_start_2:
0xe9: {  	(tag) =	ssettag $0x2  }
0xea: {  	s0 =	rddreg [dreg:$0x0];
	s2 =	stileid.u32  }
0xeb: {  	s1 =	rddreg [dreg:$0x1];
	p0 =	sne.s32 s2, $0x0  }
0xec: {  	s3 =	rddreg [dreg:$0x2];
	[bflag:$0x3] =	sbarrier.arrive $0xFFFF;
	s2 =	simm.s32 @!p0 $0x1C05  }
0xed: {  	[timem:s3], [sflag:s2] =	dma.local @!p0 [hbm:s0], s1  }
0xee: {  	s0 =	simm.s32 @!p0 $0x5  }
0xef: {  	_ =	swait.ge @!p0 [sflag:s0], s1  }
0xf0: {  	s1 =	ssub.s32 @!p0 $0x0, s1;
	[sflag:s0] =	ssyncset.done @!p0 $0x0  }
0xf1: {  	[sflag:s0] =	ssyncadd.s32 @!p0 s1  }
0xf2: {  	[bflag:$0x3] =	sbarrier.arrive $0xFFFF  }
0xf3: {  	_ =	shalt  }

</sc_bundles>
